<compile_context>
chip_gen: v7x
topology: tpu7x:2x2x1
jax: 0.10.2.dev20260603
libtpu: 0.0.44.dev20260713+nightly
codegen_flags: <defaults>
</compile_context>

<pallas_src>
import functools

import jax
import jax.numpy as jnp
from jax import lax
from jax.experimental import pallas as pl
from jax.experimental.pallas import tpu as pltpu
from jax.experimental.pallas import tpu_sc as plsc

_EPS = 1e-5
_CH = 128




def _sc_gather(face_pad, idx2, E, N, NC, NS):
    NW = NC * NS
    NCH = idx2.shape[0]
    MAIN = (NCH // NW) & ~1
    REM = NCH - MAIN * NW
    mesh = plsc.VectorSubcoreMesh(core_axis_name="c", subcore_axis_name="s")

    @functools.partial(
        pl.kernel,
        out_type=jax.ShapeDtypeStruct((E, 128), jnp.float32),
        mesh=mesh,
        scratch_types=[
            pltpu.VMEM((_CH,), jnp.int32),
            pltpu.VMEM((_CH,), jnp.int32),
            pltpu.VMEM((_CH, 128), jnp.float32),
            pltpu.VMEM((_CH, 128), jnp.float32),
            pltpu.SemaphoreType.DMA,
            pltpu.SemaphoreType.DMA,
            pltpu.SemaphoreType.DMA,
            pltpu.SemaphoreType.DMA,
        ],
    )
    def k(face_hbm, idx2_hbm, g_hbm, idx0, idx1, rows0, rows1, gs0, gs1, ws0, ws1):
        cid = lax.axis_index("c")
        sid = lax.axis_index("s")
        wid = sid * NC + cid
        base = wid * MAIN
        idxs, rows, gss, wss = (idx0, idx1), (rows0, rows1), (gs0, gs1), (ws0, ws1)
        for b in range(2):
            pltpu.sync_copy(idx2_hbm.at[base + b], idxs[b])
            pltpu.async_copy(face_hbm.at[idxs[b]], rows[b], gss[b])

        @pl.loop(0, MAIN // 2)
        def _(t):
            for b in range(2):
                g = 2 * t + b
                dst = g_hbm.at[pl.ds((base + g) * _CH, _CH)]
                pltpu.make_async_copy(face_hbm.at[idxs[b]], rows[b], gss[b]).wait()
                pltpu.async_copy(rows[b], dst, wss[b])
                pltpu.sync_copy(idx2_hbm.at[base + g + 2], idxs[b])
                pltpu.make_async_copy(rows[b], dst, wss[b]).wait()

                @pl.when(g + 2 < MAIN)
                def _():
                    pltpu.async_copy(face_hbm.at[idxs[b]], rows[b], gss[b])

        @pl.when(wid < REM)
        def _():
            ch = NW * MAIN + wid
            pltpu.sync_copy(idx2_hbm.at[ch], idx0)
            pltpu.async_copy(face_hbm.at[idx0], rows0, gs0).wait()
            pltpu.sync_copy(rows0, g_hbm.at[pl.ds(ch * _CH, _CH)])

    return k(face_pad, idx2)


def _sc_scatter(z, idx2, a2, c2, zeros, E, N, NC, NS):
    NW = NC * NS
    NCH = idx2.shape[0]
    MAIN = (NCH // NW) & ~1
    REM = NCH - MAIN * NW
    STRIPE = zeros.shape[0]
    NP = NS * STRIPE
    mesh = plsc.VectorSubcoreMesh(core_axis_name="c", subcore_axis_name="s")

    CS = _CH

    @functools.partial(
        pl.kernel,
        out_type=jax.ShapeDtypeStruct((NC * NP, 128), jnp.float32),
        mesh=mesh,
        scratch_types=[
            pltpu.VMEM((_CH,), jnp.int32),
            pltpu.VMEM((_CH,), jnp.int32),
            pltpu.VMEM((_CH, 128), jnp.float32),
            pltpu.VMEM((_CH, 128), jnp.float32),
            pltpu.VMEM((128,), jnp.float32),
            pltpu.VMEM((128,), jnp.float32),
            pltpu.VMEM_SHARED((NP, 128), jnp.float32),
            pltpu.SemaphoreType.DMA,
            pltpu.SemaphoreType.DMA,
        ],
    )
    def k(z_hbm, idx2_hbm, a_hbm, c_hbm, zeros_hbm, out_hbm,
          idx0, idx1, zb0, zb1, abuf, cbuf, agg_sh, zs0, zs1):
        cid = lax.axis_index("c")
        sid = lax.axis_index("s")
        wid = sid * NC + cid
        pltpu.sync_copy(zeros_hbm, agg_sh.at[pl.ds(sid * STRIPE, STRIPE)])
        pltpu.sync_copy(a_hbm, abuf)
        pltpu.sync_copy(c_hbm, cbuf)
        plsc.subcore_barrier()
        av = [abuf[pl.ds(16 * q, 16)] for q in range(8)]
        cv = [cbuf[pl.ds(16 * q, 16)] for q in range(8)]
        idxs, zbufs, zss = (idx0, idx1), (zb0, zb1), (zs0, zs1)
        base = wid * MAIN

        def relu_affine(zbuf):
            def row(r, inner):
                for q in range(8):
                    sl = pl.ds(16 * q, 16)
                    zbuf[r, sl] = jnp.maximum(zbuf[r, sl] * av[q] + cv[q], 0.0)
                return inner

            lax.fori_loop(0, _CH, row, 0)

        for b in range(2):
            pltpu.sync_copy(idx2_hbm.at[base + b], idxs[b])
            pltpu.async_copy(z_hbm.at[pl.ds((base + b) * CS, CS)], zbufs[b], zss[b])

        @pl.loop(0, MAIN // 2)
        def _(t):
            for b in range(2):
                g = 2 * t + b
                pltpu.make_async_copy(z_hbm.at[pl.ds((base + g) * CS, CS)],
                                      zbufs[b], zss[b]).wait()
                relu_affine(zbufs[b])
                pltpu.sync_copy(zbufs[b], agg_sh.at[idxs[b]], add=True)
                pltpu.sync_copy(idx2_hbm.at[base + g + 2], idxs[b])

                @pl.when(g + 2 < MAIN)
                def _():
                    pltpu.async_copy(z_hbm.at[pl.ds((base + g + 2) * CS, CS)],
                                     zbufs[b], zss[b])

        @pl.when(wid < REM)
        def _():
            ch = NW * MAIN + wid
            pltpu.sync_copy(idx2_hbm.at[ch], idx0)
            pltpu.sync_copy(z_hbm.at[pl.ds(ch * CS, CS)], zb0)
            relu_affine(zb0)
            pltpu.sync_copy(zb0, agg_sh.at[idx0], add=True)

        plsc.subcore_barrier()
        pltpu.sync_copy(agg_sh.at[pl.ds(sid * STRIPE, STRIPE)],
                        out_hbm.at[pl.ds(cid * NP + sid * STRIPE, STRIPE)])

    return k(z, idx2, a2, c2, zeros)




def _tc_stats_fold(g, e, W1, g1, b1, BE):
    E = g.shape[0]
    nsteps = E // BE
    K = W1.shape[0]
    M = W1.shape[1]

    def body(g_ref, e_ref, w1_ref, g1_ref, b1_ref, w1f_ref, c1_ref, xtx, xsum):
        i = pl.program_id(0)

        @pl.when(i == 0)
        def _():
            xtx[...] = jnp.zeros_like(xtx)
            xsum[...] = jnp.zeros_like(xsum)

        xb = jnp.concatenate([g_ref[...][:, :64], e_ref[...]], axis=1)
        xtx[...] += lax.dot_general(xb, xb, (((0,), (0,)), ((), ())),
                                    preferred_element_type=jnp.float32)
        xsum[...] += jnp.sum(xb, axis=0, keepdims=True)

        @pl.when(i == nsteps - 1)
        def _():
            w1 = w1_ref[...]
            m1 = jnp.dot(xsum[...], w1, preferred_element_type=jnp.float32) / E
            ex2 = jnp.sum(w1 * jnp.dot(xtx[...], w1, preferred_element_type=jnp.float32),
                          axis=0, keepdims=True) / E
            v1 = ex2 - m1 * m1
            a1 = g1_ref[...] * lax.rsqrt(v1 + _EPS)
            c1_ref[...] = b1_ref[...] - m1 * a1
            w1f_ref[...] = w1 * a1

    return pl.pallas_call(
        body,
        grid=(nsteps,),
        in_specs=[
            pl.BlockSpec((BE, 128), lambda i: (i, 0)),
            pl.BlockSpec((BE, 64), lambda i: (i, 0)),
            pl.BlockSpec((K, M), lambda i: (0, 0)),
            pl.BlockSpec((1, M), lambda i: (0, 0)),
            pl.BlockSpec((1, M), lambda i: (0, 0)),
        ],
        out_specs=[
            pl.BlockSpec((K, M), lambda i: (0, 0)),
            pl.BlockSpec((1, M), lambda i: (0, 0)),
        ],
        out_shape=[
            jax.ShapeDtypeStruct((K, M), jnp.float32),
            jax.ShapeDtypeStruct((1, M), jnp.float32),
        ],
        scratch_shapes=[
            pltpu.VMEM((K, K), jnp.float32),
            pltpu.VMEM((1, K), jnp.float32),
        ],
        compiler_params=pltpu.CompilerParams(dimension_semantics=("arbitrary",)),
    )(g, e, W1, g1.reshape(1, -1), b1.reshape(1, -1))


def _tc_mlp1(g, e, w1f, c1, W2, g2, b2, BE):
    E = g.shape[0]
    nsteps = E // BE
    K = w1f.shape[0]
    M = w1f.shape[1]
    P = W2.shape[1]

    def body(g_ref, e_ref, w1f_ref, c1_ref, w2_ref, g2_ref, b2_ref,
             z_ref, a2_ref, c2_ref, zsum, zsq):
        i = pl.program_id(0)

        @pl.when(i == 0)
        def _():
            zsum[...] = jnp.zeros_like(zsum)
            zsq[...] = jnp.zeros_like(zsq)

        x = jnp.concatenate([g_ref[...][:, :64], e_ref[...]], axis=1)
        h = jnp.maximum(jnp.dot(x, w1f_ref[...],
                                preferred_element_type=jnp.float32) + c1_ref[...], 0.0)
        z = jnp.dot(h, w2_ref[...], preferred_element_type=jnp.float32)
        z_ref[...] = z
        zsum[...] += jnp.sum(z, axis=0, keepdims=True)
        zsq[...] += jnp.sum(z * z, axis=0, keepdims=True)

        @pl.when(i == nsteps - 1)
        def _():
            m2 = zsum[...] / E
            v2 = zsq[...] / E - m2 * m2
            a2 = g2_ref[...] * lax.rsqrt(v2 + _EPS)
            a2_ref[...] = a2
            c2_ref[...] = b2_ref[...] - m2 * a2

    return pl.pallas_call(
        body,
        grid=(nsteps,),
        in_specs=[
            pl.BlockSpec((BE, 128), lambda i: (i, 0)),
            pl.BlockSpec((BE, 64), lambda i: (i, 0)),
            pl.BlockSpec((K, M), lambda i: (0, 0)),
            pl.BlockSpec((1, M), lambda i: (0, 0)),
            pl.BlockSpec((M, P), lambda i: (0, 0)),
            pl.BlockSpec((1, P), lambda i: (0, 0)),
            pl.BlockSpec((1, P), lambda i: (0, 0)),
        ],
        out_specs=[
            pl.BlockSpec((BE, P), lambda i: (i, 0)),
            pl.BlockSpec((1, P), lambda i: (0, 0)),
            pl.BlockSpec((1, P), lambda i: (0, 0)),
        ],
        out_shape=[
            jax.ShapeDtypeStruct((E, P), jnp.float32),
            jax.ShapeDtypeStruct((1, P), jnp.float32),
            jax.ShapeDtypeStruct((1, P), jnp.float32),
        ],
        scratch_shapes=[
            pltpu.VMEM((1, P), jnp.float32),
            pltpu.VMEM((1, P), jnp.float32),
        ],
        compiler_params=pltpu.CompilerParams(dimension_semantics=("arbitrary",)),
    )(g, e, w1f, c1, W2, g2.reshape(1, -1), b2.reshape(1, -1))


def _tc_mlp2_fused(p0, p1, W3, g3, b3, W4, g4, b4, W5, b5, BN):
    N = p0.shape[0]
    ns = N // BN
    K = W3.shape[0]
    M = W3.shape[1]

    def body(p0_ref, p1_ref, w3_ref, g3_ref, b3_ref, w4_ref, g4_ref, b4_ref,
             w5_ref, b5_ref, out_ref,
             ata, asum, w3f, c3, z4s, zsum, zsq, a4, c4):
        i = pl.program_id(0)

        @pl.when(i == 0)
        def _():
            ata[...] = jnp.zeros_like(ata)
            asum[...] = jnp.zeros_like(asum)
            zsum[...] = jnp.zeros_like(zsum)
            zsq[...] = jnp.zeros_like(zsq)

        @pl.when(i < ns)
        def _():
            a = p0_ref[...] + p1_ref[...]
            ata[...] += lax.dot_general(a, a, (((0,), (0,)), ((), ())),
                                        preferred_element_type=jnp.float32)
            asum[...] += jnp.sum(a, axis=0, keepdims=True)

            @pl.when(i == ns - 1)
            def _():
                w3 = w3_ref[...]
                m3 = jnp.dot(asum[...], w3, preferred_element_type=jnp.float32) / N
                ex2 = jnp.sum(w3 * jnp.dot(ata[...], w3,
                                           preferred_element_type=jnp.float32),
                              axis=0, keepdims=True) / N
                v3 = ex2 - m3 * m3
                a3 = g3_ref[...] * lax.rsqrt(v3 + _EPS)
                c3[...] = b3_ref[...] - m3 * a3
                w3f[...] = w3 * a3

        @pl.when(jnp.logical_and(i >= ns, i < 2 * ns))
        def _():
            j = i - ns
            a = p0_ref[...] + p1_ref[...]
            h = jnp.maximum(jnp.dot(a, w3f[...],
                                    preferred_element_type=jnp.float32) + c3[...], 0.0)
            z = jnp.dot(h, w4_ref[...], preferred_element_type=jnp.float32)
            z4s[pl.ds(j * BN, BN), :] = z
            zsum[...] += jnp.sum(z, axis=0, keepdims=True)
            zsq[...] += jnp.sum(z * z, axis=0, keepdims=True)

            @pl.when(i == 2 * ns - 1)
            def _():
                m4 = zsum[...] / N
                v4 = zsq[...] / N - m4 * m4
                a4[...] = g4_ref[...] * lax.rsqrt(v4 + _EPS)
                c4[...] = b4_ref[...] - m4 * a4[...]

        @pl.when(i >= 2 * ns)
        def _():
            j = i - 2 * ns
            y = jnp.maximum(z4s[pl.ds(j * BN, BN), :] * a4[...] + c4[...], 0.0)
            out_ref[...] = jnp.dot(y, w5_ref[...],
                                   preferred_element_type=jnp.float32) + b5_ref[...]

    def pmap(i):
        return (lax.rem(i, ns), 0)

    def omap(i):
        return (jnp.where(i >= 2 * ns, i - 2 * ns, 0), 0)

    return pl.pallas_call(
        body,
        grid=(3 * ns,),
        in_specs=[
            pl.BlockSpec((BN, K), pmap),
            pl.BlockSpec((BN, K), pmap),
            pl.BlockSpec((K, M), lambda i: (0, 0)),
            pl.BlockSpec((1, M), lambda i: (0, 0)),
            pl.BlockSpec((1, M), lambda i: (0, 0)),
            pl.BlockSpec((M, M), lambda i: (0, 0)),
            pl.BlockSpec((1, M), lambda i: (0, 0)),
            pl.BlockSpec((1, M), lambda i: (0, 0)),
            pl.BlockSpec((M, K), lambda i: (0, 0)),
            pl.BlockSpec((1, K), lambda i: (0, 0)),
        ],
        out_specs=pl.BlockSpec((BN, K), omap),
        out_shape=jax.ShapeDtypeStruct((N, K), jnp.float32),
        scratch_shapes=[
            pltpu.VMEM((K, K), jnp.float32),
            pltpu.VMEM((1, K), jnp.float32),
            pltpu.VMEM((K, M), jnp.float32),
            pltpu.VMEM((1, M), jnp.float32),
            pltpu.VMEM((N, M), jnp.float32),
            pltpu.VMEM((1, M), jnp.float32),
            pltpu.VMEM((1, M), jnp.float32),
            pltpu.VMEM((1, M), jnp.float32),
            pltpu.VMEM((1, M), jnp.float32),
        ],
        compiler_params=pltpu.CompilerParams(dimension_semantics=("arbitrary",)),
    )(p0, p1, W3, g3.reshape(1, -1), b3.reshape(1, -1), W4,
      g4.reshape(1, -1), b4.reshape(1, -1), W5, b5.reshape(1, -1))


def kernel(face_rep, edge_rep, domain_indicator, W1, g1, b1, W2, g2, b2,
           W3, g3, b3, W4, g4, b4, W5, b5):
    E = edge_rep.shape[0]
    N = face_rep.shape[0]
    info = plsc.get_sparse_core_info()
    NC, NS = info.num_cores, info.num_subcores

    idx2 = domain_indicator.astype(jnp.int32).reshape(E // _CH, _CH)

    face_pad = jnp.pad(face_rep, ((0, 0), (0, 64)))
    gathered = _sc_gather(face_pad, idx2, E, N, NC, NS)

    BE = 3200
    w1f, c1 = _tc_stats_fold(gathered, edge_rep, W1, g1, b1, BE)
    z, a2, c2 = _tc_mlp1(gathered, edge_rep, w1f, c1, W2, g2, b2, BE)

    STRIPE = ((N + NS - 1) // NS + 7) // 8 * 8
    NP = NS * STRIPE
    zeros = jnp.zeros((STRIPE, 128), jnp.float32)
    parts = _sc_scatter(z, idx2, a2.reshape(-1), c2.reshape(-1), zeros, E, N, NC, NS)
    p0, p1 = parts[:N], parts[NP:NP + N]

    BN = 2000
    out = _tc_mlp2_fused(p0, p1, W3, g3, b3, W4, g4, b4, W5, b5, BN)
    return out

# --- scband reference (transcript-rebuilt; emitter-appended) ---
"""Pipeline reference for scband-raise-zero-64295660421818 (READ-ONLY COPY).

The authoritative reference and input builder live on the scoring server;
editing this copy changes nothing except your own understanding.
"""

import jax, jax.numpy as jnp
import numpy as np

N = 10000
E = 320000
H = 128


def _bn(x, g, b, eps=1e-5):
    m = jnp.mean(x, axis=0)
    v = jnp.var(x, axis=0)
    return (x - m) / jnp.sqrt(v + eps) * g + b


def setup_inputs(seed: int = 0) -> dict:
    key = jax.random.key(seed)
    ks = jax.random.split(key, 16)
    inp = {}
    inp["face_rep"] = jax.random.normal(ks[0], (N, 64), dtype=jnp.float32)
    inp["edge_rep"] = jax.random.normal(ks[1], (E, 64), dtype=jnp.float32)
    inp["domain_indicator"] = jax.random.randint(ks[2], (E,), 0, N, dtype=jnp.int32)
    # mlp1: Linear(128,256,no bias) -> BN(256) -> ReLU -> Linear(256,128,no bias) -> BN(128) -> ReLU
    inp["W1"] = jax.random.normal(ks[3], (H, 2 * H), dtype=jnp.float32) / np.sqrt(H)
    inp["g1"] = jnp.ones((2 * H,), dtype=jnp.float32)
    inp["b1"] = jnp.zeros((2 * H,), dtype=jnp.float32)
    inp["W2"] = jax.random.normal(ks[4], (2 * H, H), dtype=jnp.float32) / np.sqrt(2 * H)
    inp["g2"] = jnp.ones((H,), dtype=jnp.float32)
    inp["b2"] = jnp.zeros((H,), dtype=jnp.float32)
    # mlp2: Linear(128,256,no bias) -> BN(256) -> ReLU -> Linear(256,256,no bias) -> BN(256) -> ReLU -> Linear(256,128,bias)
    inp["W3"] = jax.random.normal(ks[5], (H, 2 * H), dtype=jnp.float32) / np.sqrt(H)
    inp["g3"] = jnp.ones((2 * H,), dtype=jnp.float32)
    inp["b3"] = jnp.zeros((2 * H,), dtype=jnp.float32)
    inp["W4"] = jax.random.normal(ks[6], (2 * H, 2 * H), dtype=jnp.float32) / np.sqrt(2 * H)
    inp["g4"] = jnp.ones((2 * H,), dtype=jnp.float32)
    inp["b4"] = jnp.zeros((2 * H,), dtype=jnp.float32)
    inp["W5"] = jax.random.normal(ks[7], (2 * H, H), dtype=jnp.float32) / np.sqrt(2 * H)
    inp["b5"] = jnp.zeros((H,), dtype=jnp.float32)
    return inp


def reference(face_rep, edge_rep, domain_indicator, W1, g1, b1, W2, g2, b2, W3, g3, b3, W4, g4, b4, W5, b5):
    # messages = mlp1(cat([face_rep[domain_indicator], edge_rep], -1))
    gathered = jnp.take(face_rep, domain_indicator, axis=0)
    h = jnp.concatenate([gathered, edge_rep], axis=-1)
    h = jax.nn.relu(_bn(h @ W1, g1, b1))
    h = jax.nn.relu(_bn(h @ W2, g2, b2))
    # aggregates = scatter(messages, domain_indicator, 0, reduce='sum', dim_size=N)
    agg = jax.ops.segment_sum(h, domain_indicator, num_segments=N)
    # mlp2(aggregates)
    z = jax.nn.relu(_bn(agg @ W3, g3, b3))
    z = jax.nn.relu(_bn(z @ W4, g4, b4))
    out = z @ W5 + b5
    return out

if __name__ == "__main__":
    import jax
    _d = setup_inputs()
    print(jax.jit(kernel)(*tuple(_d.values())))

</pallas_src>

<mosaic_0001>
#map = affine_map<(d0, d1) -> (0, 0)>
module attributes {stable_mosaic.version = 14 : i64} {
  func.func @k(%arg0: i32, %arg1: i32, %arg2: memref<10000x128xf32, #tpu.memory_space<hbm>>, %arg3: memref<2500x128xi32, #tpu.memory_space<hbm>>, %arg4: memref<320000x128xf32, #tpu.memory_space<hbm>>, %arg5: memref<128xi32, #tpu.memory_space<vmem>>, %arg6: memref<128xi32, #tpu.memory_space<vmem>>, %arg7: memref<128x128xf32, #tpu.memory_space<vmem>>, %arg8: memref<128x128xf32, #tpu.memory_space<vmem>>, %arg9: memref<!tpu.dma_semaphore, #tpu.memory_space<semaphore_mem>>, %arg10: memref<!tpu.dma_semaphore, #tpu.memory_space<semaphore_mem>>, %arg11: memref<!tpu.dma_semaphore, #tpu.memory_space<semaphore_mem>>, %arg12: memref<!tpu.dma_semaphore, #tpu.memory_space<semaphore_mem>>) attributes {dimension_semantics = [#tpu.dimension_semantics<core_parallel>, #tpu.dimension_semantics<subcore_parallel>], iteration_bounds = array<i64: 2, 16>, scalar_prefetch = 0 : i64, scratch_operands = 8 : i64, tpu.core_type = #tpu.core_type<sc_vector_subcore>, window_params = [{transform_indices = #map}, {transform_indices = #map}, {transform_indices = #map}]} {
    %mul3A = arith.constant 2 : i32
    %mul3A_0 = arith.muli %arg1, %mul3A : i32
    %add3A = arith.addi %mul3A_0, %arg0 : i32
    %mul3A_1 = arith.constant 78 : i32
    %mul3A_2 = arith.muli %add3A, %mul3A_1 : i32
    %add3A_3 = arith.constant 0 : i32
    %add3A_4 = arith.addi %mul3A_2, %add3A_3 : i32
    "tpu.region"() ({
      %run_scoped3A = tpu.sem_alloc : memref<!tpu.dma_semaphore, #tpu.memory_space<semaphore_mem>>
      %dma_start3A_18 = arith.constant 0 : i32
      %dma_start3A_19 = tpu.memref_slice %arg3[%add3A_4, %dma_start3A_18] : memref<2500x128xi32, #tpu.memory_space<hbm>> -> memref<1x128xi32, #tpu.memory_space<hbm>>
      %dma_start3A_20 = tpu.memref_squeeze %dma_start3A_19 : memref<1x128xi32, #tpu.memory_space<hbm>> -> memref<128xi32, #tpu.memory_space<hbm>>
      %dma_start3A_21 = arith.constant 0 : i32
      %dma_start3A_22 = tpu.memref_slice %arg3[%add3A_4, %dma_start3A_21] : memref<2500x128xi32, #tpu.memory_space<hbm>> -> memref<1x128xi32, #tpu.memory_space<hbm>>
      %dma_start3A_23 = tpu.memref_squeeze %dma_start3A_22 : memref<1x128xi32, #tpu.memory_space<hbm>> -> memref<128xi32, #tpu.memory_space<hbm>>
      tpu.enqueue_dma source(%dma_start3A_23 : memref<128xi32, #tpu.memory_space<hbm>>) target(%arg5 : memref<128xi32, #tpu.memory_space<vmem>>) target_semaphore(%run_scoped3A : memref<!tpu.dma_semaphore, #tpu.memory_space<semaphore_mem>>)
      %dma_wait3A = arith.constant 0 : i32
      %dma_wait3A_24 = tpu.memref_slice %arg3[%add3A_4, %dma_wait3A] : memref<2500x128xi32, #tpu.memory_space<hbm>> -> memref<1x128xi32, #tpu.memory_space<hbm>>
      %dma_wait3A_25 = tpu.memref_squeeze %dma_wait3A_24 : memref<1x128xi32, #tpu.memory_space<hbm>> -> memref<128xi32, #tpu.memory_space<hbm>>
      %dma_wait3A_26 = arith.constant 0 : i32
      %dma_wait3A_27 = tpu.memref_slice %arg3[%add3A_4, %dma_wait3A_26] : memref<2500x128xi32, #tpu.memory_space<hbm>> -> memref<1x128xi32, #tpu.memory_space<hbm>>
      %dma_wait3A_28 = tpu.memref_squeeze %dma_wait3A_27 : memref<1x128xi32, #tpu.memory_space<hbm>> -> memref<128xi32, #tpu.memory_space<hbm>>
      tpu.wait_dma2 semaphore(%run_scoped3A : memref<!tpu.dma_semaphore, #tpu.memory_space<semaphore_mem>>) src(%dma_wait3A_28 : memref<128xi32, #tpu.memory_space<hbm>>) dst(%arg5 : memref<128xi32, #tpu.memory_space<vmem>>)
      tpu.yield
    }) : () -> ()
    %dma_start3A = arith.constant 0 : i32
    %dma_start3A_5 = arith.constant 0 : i32
    %dma_start3A_6 = tpu.memref_slice %arg2[%dma_start3A, %dma_start3A_5] : memref<10000x128xf32, #tpu.memory_space<hbm>> -> memref<10000x128xf32, #tpu.memory_space<hbm>>
    tpu.enqueue_indirect_dma source(%dma_start3A_6 : memref<10000x128xf32, #tpu.memory_space<hbm>>) target(%arg7 : memref<128x128xf32, #tpu.memory_space<vmem>>) offsets(%arg5 : memref<128xi32, #tpu.memory_space<vmem>>) semaphore(%arg9 : memref<!tpu.dma_semaphore, #tpu.memory_space<semaphore_mem>>)
    %add3A_7 = arith.constant 1 : i32
    %add3A_8 = arith.addi %mul3A_2, %add3A_7 : i32
    "tpu.region"() ({
      %run_scoped3A = tpu.sem_alloc : memref<!tpu.dma_semaphore, #tpu.memory_space<semaphore_mem>>
      %dma_start3A_18 = arith.constant 0 : i32
      %dma_start3A_19 = tpu.memref_slice %arg3[%add3A_8, %dma_start3A_18] : memref<2500x128xi32, #tpu.memory_space<hbm>> -> memref<1x128xi32, #tpu.memory_space<hbm>>
      %dma_start3A_20 = tpu.memref_squeeze %dma_start3A_19 : memref<1x128xi32, #tpu.memory_space<hbm>> -> memref<128xi32, #tpu.memory_space<hbm>>
      %dma_start3A_21 = arith.constant 0 : i32
      %dma_start3A_22 = tpu.memref_slice %arg3[%add3A_8, %dma_start3A_21] : memref<2500x128xi32, #tpu.memory_space<hbm>> -> memref<1x128xi32, #tpu.memory_space<hbm>>
      %dma_start3A_23 = tpu.memref_squeeze %dma_start3A_22 : memref<1x128xi32, #tpu.memory_space<hbm>> -> memref<128xi32, #tpu.memory_space<hbm>>
      tpu.enqueue_dma source(%dma_start3A_23 : memref<128xi32, #tpu.memory_space<hbm>>) target(%arg6 : memref<128xi32, #tpu.memory_space<vmem>>) target_semaphore(%run_scoped3A : memref<!tpu.dma_semaphore, #tpu.memory_space<semaphore_mem>>)
      %dma_wait3A = arith.constant 0 : i32
      %dma_wait3A_24 = tpu.memref_slice %arg3[%add3A_8, %dma_wait3A] : memref<2500x128xi32, #tpu.memory_space<hbm>> -> memref<1x128xi32, #tpu.memory_space<hbm>>
      %dma_wait3A_25 = tpu.memref_squeeze %dma_wait3A_24 : memref<1x128xi32, #tpu.memory_space<hbm>> -> memref<128xi32, #tpu.memory_space<hbm>>
      %dma_wait3A_26 = arith.constant 0 : i32
      %dma_wait3A_27 = tpu.memref_slice %arg3[%add3A_8, %dma_wait3A_26] : memref<2500x128xi32, #tpu.memory_space<hbm>> -> memref<1x128xi32, #tpu.memory_space<hbm>>
      %dma_wait3A_28 = tpu.memref_squeeze %dma_wait3A_27 : memref<1x128xi32, #tpu.memory_space<hbm>> -> memref<128xi32, #tpu.memory_space<hbm>>
      tpu.wait_dma2 semaphore(%run_scoped3A : memref<!tpu.dma_semaphore, #tpu.memory_space<semaphore_mem>>) src(%dma_wait3A_28 : memref<128xi32, #tpu.memory_space<hbm>>) dst(%arg6 : memref<128xi32, #tpu.memory_space<vmem>>)
      tpu.yield
    }) : () -> ()
    %dma_start3A_9 = arith.constant 0 : i32
    %dma_start3A_10 = arith.constant 0 : i32
    %dma_start3A_11 = tpu.memref_slice %arg2[%dma_start3A_9, %dma_start3A_10] : memref<10000x128xf32, #tpu.memory_space<hbm>> -> memref<10000x128xf32, #tpu.memory_space<hbm>>
    tpu.enqueue_indirect_dma source(%dma_start3A_11 : memref<10000x128xf32, #tpu.memory_space<hbm>>) target(%arg8 : memref<128x128xf32, #tpu.memory_space<vmem>>) offsets(%arg6 : memref<128xi32, #tpu.memory_space<vmem>>) semaphore(%arg10 : memref<!tpu.dma_semaphore, #tpu.memory_space<semaphore_mem>>)
    %scan3A = arith.constant 0 : i32
    %scan3A_12 = arith.constant 39 : i32
    %scan3A_13 = arith.addi %scan3A, %scan3A_12 : i32
    %scan3A_14 = arith.constant 1 : i32
    scf.for %scan3A_18 = %scan3A to %scan3A_13 step %scan3A_14  : i32 {
      %mul3A_19 = arith.constant 1 : i32
      %mul3A_20 = arith.muli %scan3A_18, %mul3A_19 : i32
      %add3A_21 = arith.constant 0 : i32
      %add3A_22 = arith.addi %add3A_21, %mul3A_20 : i32
      %mul3A_23 = arith.constant 2 : i32
      %mul3A_24 = arith.muli %mul3A_23, %add3A_22 : i32
      %add3A_25 = arith.constant 0 : i32
      %add3A_26 = arith.addi %mul3A_24, %add3A_25 : i32
      %add3A_27 = arith.addi %mul3A_2, %add3A_26 : i32
      %mul3A_28 = arith.constant 128 : i32
      %mul3A_29 = arith.muli %add3A_27, %mul3A_28 : i32
      %dma_wait3A = arith.constant 0 : i32
      %dma_wait3A_30 = arith.constant 0 : i32
      %dma_wait3A_31 = tpu.memref_slice %arg2[%dma_wait3A, %dma_wait3A_30] : memref<10000x128xf32, #tpu.memory_space<hbm>> -> memref<10000x128xf32, #tpu.memory_space<hbm>>
      tpu.wait_indirect_dma semaphore(%arg9 : memref<!tpu.dma_semaphore, #tpu.memory_space<semaphore_mem>>) src(%dma_wait3A_31 : memref<10000x128xf32, #tpu.memory_space<hbm>>) dst(%arg7 : memref<128x128xf32, #tpu.memory_space<vmem>>)
      %dma_start3A_32 = arith.constant 0 : i32
      %dma_start3A_33 = tpu.memref_slice %arg4[%mul3A_29, %dma_start3A_32] : memref<320000x128xf32, #tpu.memory_space<hbm>> -> memref<128x128xf32, #tpu.memory_space<hbm>>
      %dma_start3A_34 = arith.constant 0 : i32
      %dma_start3A_35 = tpu.memref_slice %arg4[%mul3A_29, %dma_start3A_34] : memref<320000x128xf32, #tpu.memory_space<hbm>> -> memref<128x128xf32, #tpu.memory_space<hbm>>
      tpu.enqueue_dma source(%arg7 : memref<128x128xf32, #tpu.memory_space<vmem>>) target(%dma_start3A_35 : memref<128x128xf32, #tpu.memory_space<hbm>>) target_semaphore(%arg11 : memref<!tpu.dma_semaphore, #tpu.memory_space<semaphore_mem>>)
      %add3A_36 = arith.addi %mul3A_2, %add3A_26 : i32
      %add3A_37 = arith.constant 2 : i32
      %add3A_38 = arith.addi %add3A_36, %add3A_37 : i32
      "tpu.region"() ({
        %run_scoped3A = tpu.sem_alloc : memref<!tpu.dma_semaphore, #tpu.memory_space<semaphore_mem>>
        %dma_start3A_78 = arith.constant 0 : i32
        %dma_start3A_79 = tpu.memref_slice %arg3[%add3A_38, %dma_start3A_78] : memref<2500x128xi32, #tpu.memory_space<hbm>> -> memref<1x128xi32, #tpu.memory_space<hbm>>
        %dma_start3A_80 = tpu.memref_squeeze %dma_start3A_79 : memref<1x128xi32, #tpu.memory_space<hbm>> -> memref<128xi32, #tpu.memory_space<hbm>>
        %dma_start3A_81 = arith.constant 0 : i32
        %dma_start3A_82 = tpu.memref_slice %arg3[%add3A_38, %dma_start3A_81] : memref<2500x128xi32, #tpu.memory_space<hbm>> -> memref<1x128xi32, #tpu.memory_space<hbm>>
        %dma_start3A_83 = tpu.memref_squeeze %dma_start3A_82 : memref<1x128xi32, #tpu.memory_space<hbm>> -> memref<128xi32, #tpu.memory_space<hbm>>
        tpu.enqueue_dma source(%dma_start3A_83 : memref<128xi32, #tpu.memory_space<hbm>>) target(%arg5 : memref<128xi32, #tpu.memory_space<vmem>>) target_semaphore(%run_scoped3A : memref<!tpu.dma_semaphore, #tpu.memory_space<semaphore_mem>>)
        %dma_wait3A_84 = arith.constant 0 : i32
        %dma_wait3A_85 = tpu.memref_slice %arg3[%add3A_38, %dma_wait3A_84] : memref<2500x128xi32, #tpu.memory_space<hbm>> -> memref<1x128xi32, #tpu.memory_space<hbm>>
        %dma_wait3A_86 = tpu.memref_squeeze %dma_wait3A_85 : memref<1x128xi32, #tpu.memory_space<hbm>> -> memref<128xi32, #tpu.memory_space<hbm>>
        %dma_wait3A_87 = arith.constant 0 : i32
        %dma_wait3A_88 = tpu.memref_slice %arg3[%add3A_38, %dma_wait3A_87] : memref<2500x128xi32, #tpu.memory_space<hbm>> -> memref<1x128xi32, #tpu.memory_space<hbm>>
        %dma_wait3A_89 = tpu.memref_squeeze %dma_wait3A_88 : memref<1x128xi32, #tpu.memory_space<hbm>> -> memref<128xi32, #tpu.memory_space<hbm>>
        tpu.wait_dma2 semaphore(%run_scoped3A : memref<!tpu.dma_semaphore, #tpu.memory_space<semaphore_mem>>) src(%dma_wait3A_89 : memref<128xi32, #tpu.memory_space<hbm>>) dst(%arg5 : memref<128xi32, #tpu.memory_space<vmem>>)
        tpu.yield
      }) : () -> ()
      %dma_wait3A_39 = arith.constant 0 : i32
      %dma_wait3A_40 = tpu.memref_slice %arg4[%mul3A_29, %dma_wait3A_39] : memref<320000x128xf32, #tpu.memory_space<hbm>> -> memref<128x128xf32, #tpu.memory_space<hbm>>
      %dma_wait3A_41 = arith.constant 0 : i32
      %dma_wait3A_42 = tpu.memref_slice %arg4[%mul3A_29, %dma_wait3A_41] : memref<320000x128xf32, #tpu.memory_space<hbm>> -> memref<128x128xf32, #tpu.memory_space<hbm>>
      tpu.wait_dma2 semaphore(%arg11 : memref<!tpu.dma_semaphore, #tpu.memory_space<semaphore_mem>>) src(%arg7 : memref<128x128xf32, #tpu.memory_space<vmem>>) dst(%dma_wait3A_42 : memref<128x128xf32, #tpu.memory_space<hbm>>)
      %add3A_43 = arith.constant 2 : i32
      %add3A_44 = arith.addi %add3A_26, %add3A_43 : i32
      %lt3A_45 = arith.constant 78 : i32
      %lt3A_46 = arith.cmpi slt, %add3A_44, %lt3A_45 : i32
      %convert_element_type3A_47 = arith.extui %lt3A_46 : i1 to i32
      %cond3A_48 = arith.constant 0 : i32
      %cond3A_49 = arith.cmpi ne, %convert_element_type3A_47, %cond3A_48 : i32
      scf.if %cond3A_49 {
        %dma_start3A_78 = arith.constant 0 : i32
        %dma_start3A_79 = arith.constant 0 : i32
        %dma_start3A_80 = tpu.memref_slice %arg2[%dma_start3A_78, %dma_start3A_79] : memref<10000x128xf32, #tpu.memory_space<hbm>> -> memref<10000x128xf32, #tpu.memory_space<hbm>>
        tpu.enqueue_indirect_dma source(%dma_start3A_80 : memref<10000x128xf32, #tpu.memory_space<hbm>>) target(%arg7 : memref<128x128xf32, #tpu.memory_space<vmem>>) offsets(%arg5 : memref<128xi32, #tpu.memory_space<vmem>>) semaphore(%arg9 : memref<!tpu.dma_semaphore, #tpu.memory_space<semaphore_mem>>)
      } else {
      }
      %mul3A_50 = arith.constant 2 : i32
      %mul3A_51 = arith.muli %mul3A_50, %add3A_22 : i32
      %add3A_52 = arith.constant 1 : i32
      %add3A_53 = arith.addi %mul3A_51, %add3A_52 : i32
      %add3A_54 = arith.addi %mul3A_2, %add3A_53 : i32
      %mul3A_55 = arith.constant 128 : i32
      %mul3A_56 = arith.muli %add3A_54, %mul3A_55 : i32
      %dma_wait3A_57 = arith.constant 0 : i32
      %dma_wait3A_58 = arith.constant 0 : i32
      %dma_wait3A_59 = tpu.memref_slice %arg2[%dma_wait3A_57, %dma_wait3A_58] : memref<10000x128xf32, #tpu.memory_space<hbm>> -> memref<10000x128xf32, #tpu.memory_space<hbm>>
      tpu.wait_indirect_dma semaphore(%arg10 : memref<!tpu.dma_semaphore, #tpu.memory_space<semaphore_mem>>) src(%dma_wait3A_59 : memref<10000x128xf32, #tpu.memory_space<hbm>>) dst(%arg8 : memref<128x128xf32, #tpu.memory_space<vmem>>)
      %dma_start3A_60 = arith.constant 0 : i32
      %dma_start3A_61 = tpu.memref_slice %arg4[%mul3A_56, %dma_start3A_60] : memref<320000x128xf32, #tpu.memory_space<hbm>> -> memref<128x128xf32, #tpu.memory_space<hbm>>
      %dma_start3A_62 = arith.constant 0 : i32
      %dma_start3A_63 = tpu.memref_slice %arg4[%mul3A_56, %dma_start3A_62] : memref<320000x128xf32, #tpu.memory_space<hbm>> -> memref<128x128xf32, #tpu.memory_space<hbm>>
      tpu.enqueue_dma source(%arg8 : memref<128x128xf32, #tpu.memory_space<vmem>>) target(%dma_start3A_63 : memref<128x128xf32, #tpu.memory_space<hbm>>) target_semaphore(%arg12 : memref<!tpu.dma_semaphore, #tpu.memory_space<semaphore_mem>>)
      %add3A_64 = arith.addi %mul3A_2, %add3A_53 : i32
      %add3A_65 = arith.constant 2 : i32
      %add3A_66 = arith.addi %add3A_64, %add3A_65 : i32
      "tpu.region"() ({
        %run_scoped3A = tpu.sem_alloc : memref<!tpu.dma_semaphore, #tpu.memory_space<semaphore_mem>>
        %dma_start3A_78 = arith.constant 0 : i32
        %dma_start3A_79 = tpu.memref_slice %arg3[%add3A_66, %dma_start3A_78] : memref<2500x128xi32, #tpu.memory_space<hbm>> -> memref<1x128xi32, #tpu.memory_space<hbm>>
        %dma_start3A_80 = tpu.memref_squeeze %dma_start3A_79 : memref<1x128xi32, #tpu.memory_space<hbm>> -> memref<128xi32, #tpu.memory_space<hbm>>
        %dma_start3A_81 = arith.constant 0 : i32
        %dma_start3A_82 = tpu.memref_slice %arg3[%add3A_66, %dma_start3A_81] : memref<2500x128xi32, #tpu.memory_space<hbm>> -> memref<1x128xi32, #tpu.memory_space<hbm>>
        %dma_start3A_83 = tpu.memref_squeeze %dma_start3A_82 : memref<1x128xi32, #tpu.memory_space<hbm>> -> memref<128xi32, #tpu.memory_space<hbm>>
        tpu.enqueue_dma source(%dma_start3A_83 : memref<128xi32, #tpu.memory_space<hbm>>) target(%arg6 : memref<128xi32, #tpu.memory_space<vmem>>) target_semaphore(%run_scoped3A : memref<!tpu.dma_semaphore, #tpu.memory_space<semaphore_mem>>)
        %dma_wait3A_84 = arith.constant 0 : i32
        %dma_wait3A_85 = tpu.memref_slice %arg3[%add3A_66, %dma_wait3A_84] : memref<2500x128xi32, #tpu.memory_space<hbm>> -> memref<1x128xi32, #tpu.memory_space<hbm>>
        %dma_wait3A_86 = tpu.memref_squeeze %dma_wait3A_85 : memref<1x128xi32, #tpu.memory_space<hbm>> -> memref<128xi32, #tpu.memory_space<hbm>>
        %dma_wait3A_87 = arith.constant 0 : i32
        %dma_wait3A_88 = tpu.memref_slice %arg3[%add3A_66, %dma_wait3A_87] : memref<2500x128xi32, #tpu.memory_space<hbm>> -> memref<1x128xi32, #tpu.memory_space<hbm>>
        %dma_wait3A_89 = tpu.memref_squeeze %dma_wait3A_88 : memref<1x128xi32, #tpu.memory_space<hbm>> -> memref<128xi32, #tpu.memory_space<hbm>>
        tpu.wait_dma2 semaphore(%run_scoped3A : memref<!tpu.dma_semaphore, #tpu.memory_space<semaphore_mem>>) src(%dma_wait3A_89 : memref<128xi32, #tpu.memory_space<hbm>>) dst(%arg6 : memref<128xi32, #tpu.memory_space<vmem>>)
        tpu.yield
      }) : () -> ()
      %dma_wait3A_67 = arith.constant 0 : i32
      %dma_wait3A_68 = tpu.memref_slice %arg4[%mul3A_56, %dma_wait3A_67] : memref<320000x128xf32, #tpu.memory_space<hbm>> -> memref<128x128xf32, #tpu.memory_space<hbm>>
      %dma_wait3A_69 = arith.constant 0 : i32
      %dma_wait3A_70 = tpu.memref_slice %arg4[%mul3A_56, %dma_wait3A_69] : memref<320000x128xf32, #tpu.memory_space<hbm>> -> memref<128x128xf32, #tpu.memory_space<hbm>>
      tpu.wait_dma2 semaphore(%arg12 : memref<!tpu.dma_semaphore, #tpu.memory_space<semaphore_mem>>) src(%arg8 : memref<128x128xf32, #tpu.memory_space<vmem>>) dst(%dma_wait3A_70 : memref<128x128xf32, #tpu.memory_space<hbm>>)
      %add3A_71 = arith.constant 2 : i32
      %add3A_72 = arith.addi %add3A_53, %add3A_71 : i32
      %lt3A_73 = arith.constant 78 : i32
      %lt3A_74 = arith.cmpi slt, %add3A_72, %lt3A_73 : i32
      %convert_element_type3A_75 = arith.extui %lt3A_74 : i1 to i32
      %cond3A_76 = arith.constant 0 : i32
      %cond3A_77 = arith.cmpi ne, %convert_element_type3A_75, %cond3A_76 : i32
      scf.if %cond3A_77 {
        %dma_start3A_78 = arith.constant 0 : i32
        %dma_start3A_79 = arith.constant 0 : i32
        %dma_start3A_80 = tpu.memref_slice %arg2[%dma_start3A_78, %dma_start3A_79] : memref<10000x128xf32, #tpu.memory_space<hbm>> -> memref<10000x128xf32, #tpu.memory_space<hbm>>
        tpu.enqueue_indirect_dma source(%dma_start3A_80 : memref<10000x128xf32, #tpu.memory_space<hbm>>) target(%arg8 : memref<128x128xf32, #tpu.memory_space<vmem>>) offsets(%arg6 : memref<128xi32, #tpu.memory_space<vmem>>) semaphore(%arg10 : memref<!tpu.dma_semaphore, #tpu.memory_space<semaphore_mem>>)
      } else {
      }
    }
    %scan3A_15 = arith.constant 39 : i32
    %lt3A = arith.constant 4 : i32
    %lt3A_16 = arith.cmpi slt, %add3A, %lt3A : i32
    %convert_element_type3A = arith.extui %lt3A_16 : i1 to i32
    %cond3A = arith.constant 0 : i32
    %cond3A_17 = arith.cmpi ne, %convert_element_type3A, %cond3A : i32
    scf.if %cond3A_17 {
      %add3A_18 = arith.constant 2496 : i32
      %add3A_19 = arith.addi %add3A_18, %add3A : i32
      "tpu.region"() ({
        %run_scoped3A = tpu.sem_alloc : memref<!tpu.dma_semaphore, #tpu.memory_space<semaphore_mem>>
        %dma_start3A_27 = arith.constant 0 : i32
        %dma_start3A_28 = tpu.memref_slice %arg3[%add3A_19, %dma_start3A_27] : memref<2500x128xi32, #tpu.memory_space<hbm>> -> memref<1x128xi32, #tpu.memory_space<hbm>>
        %dma_start3A_29 = tpu.memref_squeeze %dma_start3A_28 : memref<1x128xi32, #tpu.memory_space<hbm>> -> memref<128xi32, #tpu.memory_space<hbm>>
        %dma_start3A_30 = arith.constant 0 : i32
        %dma_start3A_31 = tpu.memref_slice %arg3[%add3A_19, %dma_start3A_30] : memref<2500x128xi32, #tpu.memory_space<hbm>> -> memref<1x128xi32, #tpu.memory_space<hbm>>
        %dma_start3A_32 = tpu.memref_squeeze %dma_start3A_31 : memref<1x128xi32, #tpu.memory_space<hbm>> -> memref<128xi32, #tpu.memory_space<hbm>>
        tpu.enqueue_dma source(%dma_start3A_32 : memref<128xi32, #tpu.memory_space<hbm>>) target(%arg5 : memref<128xi32, #tpu.memory_space<vmem>>) target_semaphore(%run_scoped3A : memref<!tpu.dma_semaphore, #tpu.memory_space<semaphore_mem>>)
        %dma_wait3A_33 = arith.constant 0 : i32
        %dma_wait3A_34 = tpu.memref_slice %arg3[%add3A_19, %dma_wait3A_33] : memref<2500x128xi32, #tpu.memory_space<hbm>> -> memref<1x128xi32, #tpu.memory_space<hbm>>
        %dma_wait3A_35 = tpu.memref_squeeze %dma_wait3A_34 : memref<1x128xi32, #tpu.memory_space<hbm>> -> memref<128xi32, #tpu.memory_space<hbm>>
        %dma_wait3A_36 = arith.constant 0 : i32
        %dma_wait3A_37 = tpu.memref_slice %arg3[%add3A_19, %dma_wait3A_36] : memref<2500x128xi32, #tpu.memory_space<hbm>> -> memref<1x128xi32, #tpu.memory_space<hbm>>
        %dma_wait3A_38 = tpu.memref_squeeze %dma_wait3A_37 : memref<1x128xi32, #tpu.memory_space<hbm>> -> memref<128xi32, #tpu.memory_space<hbm>>
        tpu.wait_dma2 semaphore(%run_scoped3A : memref<!tpu.dma_semaphore, #tpu.memory_space<semaphore_mem>>) src(%dma_wait3A_38 : memref<128xi32, #tpu.memory_space<hbm>>) dst(%arg5 : memref<128xi32, #tpu.memory_space<vmem>>)
        tpu.yield
      }) : () -> ()
      %dma_start3A_20 = arith.constant 0 : i32
      %dma_start3A_21 = arith.constant 0 : i32
      %dma_start3A_22 = tpu.memref_slice %arg2[%dma_start3A_20, %dma_start3A_21] : memref<10000x128xf32, #tpu.memory_space<hbm>> -> memref<10000x128xf32, #tpu.memory_space<hbm>>
      tpu.enqueue_indirect_dma source(%dma_start3A_22 : memref<10000x128xf32, #tpu.memory_space<hbm>>) target(%arg7 : memref<128x128xf32, #tpu.memory_space<vmem>>) offsets(%arg5 : memref<128xi32, #tpu.memory_space<vmem>>) semaphore(%arg9 : memref<!tpu.dma_semaphore, #tpu.memory_space<semaphore_mem>>)
      %dma_wait3A = arith.constant 0 : i32
      %dma_wait3A_23 = arith.constant 0 : i32
      %dma_wait3A_24 = tpu.memref_slice %arg2[%dma_wait3A, %dma_wait3A_23] : memref<10000x128xf32, #tpu.memory_space<hbm>> -> memref<10000x128xf32, #tpu.memory_space<hbm>>
      tpu.wait_indirect_dma semaphore(%arg9 : memref<!tpu.dma_semaphore, #tpu.memory_space<semaphore_mem>>) src(%dma_wait3A_24 : memref<10000x128xf32, #tpu.memory_space<hbm>>) dst(%arg7 : memref<128x128xf32, #tpu.memory_space<vmem>>)
      %mul3A_25 = arith.constant 128 : i32
      %mul3A_26 = arith.muli %add3A_19, %mul3A_25 : i32
      "tpu.region"() ({
        %run_scoped3A = tpu.sem_alloc : memref<!tpu.dma_semaphore, #tpu.memory_space<semaphore_mem>>
        %dma_start3A_27 = arith.constant 0 : i32
        %dma_start3A_28 = tpu.memref_slice %arg4[%mul3A_26, %dma_start3A_27] : memref<320000x128xf32, #tpu.memory_space<hbm>> -> memref<128x128xf32, #tpu.memory_space<hbm>>
        %dma_start3A_29 = arith.constant 0 : i32
        %dma_start3A_30 = tpu.memref_slice %arg4[%mul3A_26, %dma_start3A_29] : memref<320000x128xf32, #tpu.memory_space<hbm>> -> memref<128x128xf32, #tpu.memory_space<hbm>>
        tpu.enqueue_dma source(%arg7 : memref<128x128xf32, #tpu.memory_space<vmem>>) target(%dma_start3A_30 : memref<128x128xf32, #tpu.memory_space<hbm>>) target_semaphore(%run_scoped3A : memref<!tpu.dma_semaphore, #tpu.memory_space<semaphore_mem>>)
        %dma_wait3A_31 = arith.constant 0 : i32
        %dma_wait3A_32 = tpu.memref_slice %arg4[%mul3A_26, %dma_wait3A_31] : memref<320000x128xf32, #tpu.memory_space<hbm>> -> memref<128x128xf32, #tpu.memory_space<hbm>>
        %dma_wait3A_33 = arith.constant 0 : i32
        %dma_wait3A_34 = tpu.memref_slice %arg4[%mul3A_26, %dma_wait3A_33] : memref<320000x128xf32, #tpu.memory_space<hbm>> -> memref<128x128xf32, #tpu.memory_space<hbm>>
        tpu.wait_dma2 semaphore(%run_scoped3A : memref<!tpu.dma_semaphore, #tpu.memory_space<semaphore_mem>>) src(%arg7 : memref<128x128xf32, #tpu.memory_space<vmem>>) dst(%dma_wait3A_34 : memref<128x128xf32, #tpu.memory_space<hbm>>)
        tpu.yield
      }) : () -> ()
    } else {
    }
    return
  }
}

#map = affine_map<(d0, d1) -> (0, 0)>
#map1 = affine_map<(d0, d1) -> (0)>
module attributes {stable_mosaic.version = 14 : i64} {
  func.func @k(%arg0: i32, %arg1: i32, %arg2: memref<320000x128xf32, #tpu.memory_space<hbm>>, %arg3: memref<2500x128xi32, #tpu.memory_space<hbm>>, %arg4: memref<128xf32, #tpu.memory_space<hbm>>, %arg5: memref<128xf32, #tpu.memory_space<hbm>>, %arg6: memref<632x128xf32, #tpu.memory_space<hbm>>, %arg7: memref<20224x128xf32, #tpu.memory_space<hbm>>, %arg8: memref<128xi32, #tpu.memory_space<vmem>>, %arg9: memref<128xi32, #tpu.memory_space<vmem>>, %arg10: memref<128x128xf32, #tpu.memory_space<vmem>>, %arg11: memref<128x128xf32, #tpu.memory_space<vmem>>, %arg12: memref<128xf32, #tpu.memory_space<vmem>>, %arg13: memref<128xf32, #tpu.memory_space<vmem>>, %arg14: memref<10112x128xf32, #tpu.memory_space<vmem_shared>>, %arg15: memref<!tpu.dma_semaphore, #tpu.memory_space<semaphore_mem>>, %arg16: memref<!tpu.dma_semaphore, #tpu.memory_space<semaphore_mem>>) attributes {dimension_semantics = [#tpu.dimension_semantics<core_parallel>, #tpu.dimension_semantics<subcore_parallel>], iteration_bounds = array<i64: 2, 16>, scalar_prefetch = 0 : i64, scratch_operands = 9 : i64, tpu.core_type = #tpu.core_type<sc_vector_subcore>, window_params = [{transform_indices = #map}, {transform_indices = #map}, {transform_indices = #map1}, {transform_indices = #map1}, {transform_indices = #map}, {transform_indices = #map}]} {
    %mul3A = arith.constant 2 : i32
    %mul3A_0 = arith.muli %arg1, %mul3A : i32
    %add3A = arith.addi %mul3A_0, %arg0 : i32
    %mul3A_1 = arith.constant 632 : i32
    %mul3A_2 = arith.muli %arg1, %mul3A_1 : i32
    "tpu.region"() ({
      %run_scoped3A = tpu.sem_alloc : memref<!tpu.dma_semaphore, #tpu.memory_space<semaphore_mem>>
      %dma_start3A_85 = arith.constant 0 : i32
      %dma_start3A_86 = tpu.memref_slice %arg14[%mul3A_2, %dma_start3A_85] : memref<10112x128xf32, #tpu.memory_space<vmem_shared>> -> memref<632x128xf32, #tpu.memory_space<vmem_shared>>
      tpu.enqueue_dma source(%arg6 : memref<632x128xf32, #tpu.memory_space<hbm>>) target(%dma_start3A_86 : memref<632x128xf32, #tpu.memory_space<vmem_shared>>) target_semaphore(%run_scoped3A : memref<!tpu.dma_semaphore, #tpu.memory_space<semaphore_mem>>)
      %dma_wait3A = arith.constant 0 : i32
      %dma_wait3A_87 = tpu.memref_slice %arg14[%mul3A_2, %dma_wait3A] : memref<10112x128xf32, #tpu.memory_space<vmem_shared>> -> memref<632x128xf32, #tpu.memory_space<vmem_shared>>
      tpu.wait_dma2 semaphore(%run_scoped3A : memref<!tpu.dma_semaphore, #tpu.memory_space<semaphore_mem>>) src(%arg6 : memref<632x128xf32, #tpu.memory_space<hbm>>) dst(%dma_wait3A_87 : memref<632x128xf32, #tpu.memory_space<vmem_shared>>)
      tpu.yield
    }) : () -> ()
    "tpu.region"() ({
      %run_scoped3A = tpu.sem_alloc : memref<!tpu.dma_semaphore, #tpu.memory_space<semaphore_mem>>
      tpu.enqueue_dma source(%arg4 : memref<128xf32, #tpu.memory_space<hbm>>) target(%arg12 : memref<128xf32, #tpu.memory_space<vmem>>) target_semaphore(%run_scoped3A : memref<!tpu.dma_semaphore, #tpu.memory_space<semaphore_mem>>)
      tpu.wait_dma2 semaphore(%run_scoped3A : memref<!tpu.dma_semaphore, #tpu.memory_space<semaphore_mem>>) src(%arg4 : memref<128xf32, #tpu.memory_space<hbm>>) dst(%arg12 : memref<128xf32, #tpu.memory_space<vmem>>)
      tpu.yield
    }) : () -> ()
    "tpu.region"() ({
      %run_scoped3A = tpu.sem_alloc : memref<!tpu.dma_semaphore, #tpu.memory_space<semaphore_mem>>
      tpu.enqueue_dma source(%arg5 : memref<128xf32, #tpu.memory_space<hbm>>) target(%arg13 : memref<128xf32, #tpu.memory_space<vmem>>) target_semaphore(%run_scoped3A : memref<!tpu.dma_semaphore, #tpu.memory_space<semaphore_mem>>)
      tpu.wait_dma2 semaphore(%run_scoped3A : memref<!tpu.dma_semaphore, #tpu.memory_space<semaphore_mem>>) src(%arg5 : memref<128xf32, #tpu.memory_space<hbm>>) dst(%arg13 : memref<128xf32, #tpu.memory_space<vmem>>)
      tpu.yield
    }) : () -> ()
    %barrier3A = arith.constant 0 : index
    tpu.barrier barrier_id(%barrier3A)
    %get3A = arith.constant 0 : index
    %get3A_3 = tpu.vector_load %arg12[%get3A] {strides = array<i32>} : memref<128xf32, #tpu.memory_space<vmem>>, vector<16xf32>,
    %get3A_4 = vector.shape_cast %get3A_3 : vector<16xf32> to vector<16xf32>
    %get3A_5 = arith.constant 16 : index
    %get3A_6 = tpu.vector_load %arg12[%get3A_5] {strides = array<i32>} : memref<128xf32, #tpu.memory_space<vmem>>, vector<16xf32>,
    %get3A_7 = vector.shape_cast %get3A_6 : vector<16xf32> to vector<16xf32>
    %get3A_8 = arith.constant 32 : index
    %get3A_9 = tpu.vector_load %arg12[%get3A_8] {strides = array<i32>} : memref<128xf32, #tpu.memory_space<vmem>>, vector<16xf32>,
    %get3A_10 = vector.shape_cast %get3A_9 : vector<16xf32> to vector<16xf32>
    %get3A_11 = arith.constant 48 : index
    %get3A_12 = tpu.vector_load %arg12[%get3A_11] {strides = array<i32>} : memref<128xf32, #tpu.memory_space<vmem>>, vector<16xf32>,
    %get3A_13 = vector.shape_cast %get3A_12 : vector<16xf32> to vector<16xf32>
    %get3A_14 = arith.constant 64 : index
    %get3A_15 = tpu.vector_load %arg12[%get3A_14] {strides = array<i32>} : memref<128xf32, #tpu.memory_space<vmem>>, vector<16xf32>,
    %get3A_16 = vector.shape_cast %get3A_15 : vector<16xf32> to vector<16xf32>
    %get3A_17 = arith.constant 80 : index
    %get3A_18 = tpu.vector_load %arg12[%get3A_17] {strides = array<i32>} : memref<128xf32, #tpu.memory_space<vmem>>, vector<16xf32>,
    %get3A_19 = vector.shape_cast %get3A_18 : vector<16xf32> to vector<16xf32>
    %get3A_20 = arith.constant 96 : index
    %get3A_21 = tpu.vector_load %arg12[%get3A_20] {strides = array<i32>} : memref<128xf32, #tpu.memory_space<vmem>>, vector<16xf32>,
    %get3A_22 = vector.shape_cast %get3A_21 : vector<16xf32> to vector<16xf32>
    %get3A_23 = arith.constant 112 : index
    %get3A_24 = tpu.vector_load %arg12[%get3A_23] {strides = array<i32>} : memref<128xf32, #tpu.memory_space<vmem>>, vector<16xf32>,
    %get3A_25 = vector.shape_cast %get3A_24 : vector<16xf32> to vector<16xf32>
    %get3A_26 = arith.constant 0 : index
    %get3A_27 = tpu.vector_load %arg13[%get3A_26] {strides = array<i32>} : memref<128xf32, #tpu.memory_space<vmem>>, vector<16xf32>,
    %get3A_28 = vector.shape_cast %get3A_27 : vector<16xf32> to vector<16xf32>
    %get3A_29 = arith.constant 16 : index
    %get3A_30 = tpu.vector_load %arg13[%get3A_29] {strides = array<i32>} : memref<128xf32, #tpu.memory_space<vmem>>, vector<16xf32>,
    %get3A_31 = vector.shape_cast %get3A_30 : vector<16xf32> to vector<16xf32>
    %get3A_32 = arith.constant 32 : index
    %get3A_33 = tpu.vector_load %arg13[%get3A_32] {strides = array<i32>} : memref<128xf32, #tpu.memory_space<vmem>>, vector<16xf32>,
    %get3A_34 = vector.shape_cast %get3A_33 : vector<16xf32> to vector<16xf32>
    %get3A_35 = arith.constant 48 : index
    %get3A_36 = tpu.vector_load %arg13[%get3A_35] {strides = array<i32>} : memref<128xf32, #tpu.memory_space<vmem>>, vector<16xf32>,
    %get3A_37 = vector.shape_cast %get3A_36 : vector<16xf32> to vector<16xf32>
    %get3A_38 = arith.constant 64 : index
    %get3A_39 = tpu.vector_load %arg13[%get3A_38] {strides = array<i32>} : memref<128xf32, #tpu.memory_space<vmem>>, vector<16xf32>,
    %get3A_40 = vector.shape_cast %get3A_39 : vector<16xf32> to vector<16xf32>
    %get3A_41 = arith.constant 80 : index
    %get3A_42 = tpu.vector_load %arg13[%get3A_41] {strides = array<i32>} : memref<128xf32, #tpu.memory_space<vmem>>, vector<16xf32>,
    %get3A_43 = vector.shape_cast %get3A_42 : vector<16xf32> to vector<16xf32>
    %get3A_44 = arith.constant 96 : index
    %get3A_45 = tpu.vector_load %arg13[%get3A_44] {strides = array<i32>} : memref<128xf32, #tpu.memory_space<vmem>>, vector<16xf32>,
    %get3A_46 = vector.shape_cast %get3A_45 : vector<16xf32> to vector<16xf32>
    %get3A_47 = arith.constant 112 : index
    %get3A_48 = tpu.vector_load %arg13[%get3A_47] {strides = array<i32>} : memref<128xf32, #tpu.memory_space<vmem>>, vector<16xf32>,
    %get3A_49 = vector.shape_cast %get3A_48 : vector<16xf32> to vector<16xf32>
    %mul3A_50 = arith.constant 78 : i32
    %mul3A_51 = arith.muli %add3A, %mul3A_50 : i32
    %add3A_52 = arith.constant 0 : i32
    %add3A_53 = arith.addi %mul3A_51, %add3A_52 : i32
    "tpu.region"() ({
      %run_scoped3A = tpu.sem_alloc : memref<!tpu.dma_semaphore, #tpu.memory_space<semaphore_mem>>
      %dma_start3A_85 = arith.constant 0 : i32
      %dma_start3A_86 = tpu.memref_slice %arg3[%add3A_53, %dma_start3A_85] : memref<2500x128xi32, #tpu.memory_space<hbm>> -> memref<1x128xi32, #tpu.memory_space<hbm>>
      %dma_start3A_87 = tpu.memref_squeeze %dma_start3A_86 : memref<1x128xi32, #tpu.memory_space<hbm>> -> memref<128xi32, #tpu.memory_space<hbm>>
      %dma_start3A_88 = arith.constant 0 : i32
      %dma_start3A_89 = tpu.memref_slice %arg3[%add3A_53, %dma_start3A_88] : memref<2500x128xi32, #tpu.memory_space<hbm>> -> memref<1x128xi32, #tpu.memory_space<hbm>>
      %dma_start3A_90 = tpu.memref_squeeze %dma_start3A_89 : memref<1x128xi32, #tpu.memory_space<hbm>> -> memref<128xi32, #tpu.memory_space<hbm>>
      tpu.enqueue_dma source(%dma_start3A_90 : memref<128xi32, #tpu.memory_space<hbm>>) target(%arg8 : memref<128xi32, #tpu.memory_space<vmem>>) target_semaphore(%run_scoped3A : memref<!tpu.dma_semaphore, #tpu.memory_space<semaphore_mem>>)
      %dma_wait3A = arith.constant 0 : i32
      %dma_wait3A_91 = tpu.memref_slice %arg3[%add3A_53, %dma_wait3A] : memref<2500x128xi32, #tpu.memory_space<hbm>> -> memref<1x128xi32, #tpu.memory_space<hbm>>
      %dma_wait3A_92 = tpu.memref_squeeze %dma_wait3A_91 : memref<1x128xi32, #tpu.memory_space<hbm>> -> memref<128xi32, #tpu.memory_space<hbm>>
      %dma_wait3A_93 = arith.constant 0 : i32
      %dma_wait3A_94 = tpu.memref_slice %arg3[%add3A_53, %dma_wait3A_93] : memref<2500x128xi32, #tpu.memory_space<hbm>> -> memref<1x128xi32, #tpu.memory_space<hbm>>
      %dma_wait3A_95 = tpu.memref_squeeze %dma_wait3A_94 : memref<1x128xi32, #tpu.memory_space<hbm>> -> memref<128xi32, #tpu.memory_space<hbm>>
      tpu.wait_dma2 semaphore(%run_scoped3A : memref<!tpu.dma_semaphore, #tpu.memory_space<semaphore_mem>>) src(%dma_wait3A_95 : memref<128xi32, #tpu.memory_space<hbm>>) dst(%arg8 : memref<128xi32, #tpu.memory_space<vmem>>)
      tpu.yield
    }) : () -> ()
    %add3A_54 = arith.constant 0 : i32
    %add3A_55 = arith.addi %mul3A_51, %add3A_54 : i32
    %mul3A_56 = arith.constant 128 : i32
    %mul3A_57 = arith.muli %add3A_55, %mul3A_56 : i32
    %dma_start3A = arith.constant 0 : i32
    %dma_start3A_58 = tpu.memref_slice %arg2[%mul3A_57, %dma_start3A] : memref<320000x128xf32, #tpu.memory_space<hbm>> -> memref<128x128xf32, #tpu.memory_space<hbm>>
    %dma_start3A_59 = arith.constant 0 : i32
    %dma_start3A_60 = tpu.memref_slice %arg2[%mul3A_57, %dma_start3A_59] : memref<320000x128xf32, #tpu.memory_space<hbm>> -> memref<128x128xf32, #tpu.memory_space<hbm>>
    tpu.enqueue_dma source(%dma_start3A_60 : memref<128x128xf32, #tpu.memory_space<hbm>>) target(%arg10 : memref<128x128xf32, #tpu.memory_space<vmem>>) target_semaphore(%arg15 : memref<!tpu.dma_semaphore, #tpu.memory_space<semaphore_mem>>)
    %add3A_61 = arith.constant 1 : i32
    %add3A_62 = arith.addi %mul3A_51, %add3A_61 : i32
    "tpu.region"() ({
      %run_scoped3A = tpu.sem_alloc : memref<!tpu.dma_semaphore, #tpu.memory_space<semaphore_mem>>
      %dma_start3A_85 = arith.constant 0 : i32
      %dma_start3A_86 = tpu.memref_slice %arg3[%add3A_62, %dma_start3A_85] : memref<2500x128xi32, #tpu.memory_space<hbm>> -> memref<1x128xi32, #tpu.memory_space<hbm>>
      %dma_start3A_87 = tpu.memref_squeeze %dma_start3A_86 : memref<1x128xi32, #tpu.memory_space<hbm>> -> memref<128xi32, #tpu.memory_space<hbm>>
      %dma_start3A_88 = arith.constant 0 : i32
      %dma_start3A_89 = tpu.memref_slice %arg3[%add3A_62, %dma_start3A_88] : memref<2500x128xi32, #tpu.memory_space<hbm>> -> memref<1x128xi32, #tpu.memory_space<hbm>>
      %dma_start3A_90 = tpu.memref_squeeze %dma_start3A_89 : memref<1x128xi32, #tpu.memory_space<hbm>> -> memref<128xi32, #tpu.memory_space<hbm>>
      tpu.enqueue_dma source(%dma_start3A_90 : memref<128xi32, #tpu.memory_space<hbm>>) target(%arg9 : memref<128xi32, #tpu.memory_space<vmem>>) target_semaphore(%run_scoped3A : memref<!tpu.dma_semaphore, #tpu.memory_space<semaphore_mem>>)
      %dma_wait3A = arith.constant 0 : i32
      %dma_wait3A_91 = tpu.memref_slice %arg3[%add3A_62, %dma_wait3A] : memref<2500x128xi32, #tpu.memory_space<hbm>> -> memref<1x128xi32, #tpu.memory_space<hbm>>
      %dma_wait3A_92 = tpu.memref_squeeze %dma_wait3A_91 : memref<1x128xi32, #tpu.memory_space<hbm>> -> memref<128xi32, #tpu.memory_space<hbm>>
      %dma_wait3A_93 = arith.constant 0 : i32
      %dma_wait3A_94 = tpu.memref_slice %arg3[%add3A_62, %dma_wait3A_93] : memref<2500x128xi32, #tpu.memory_space<hbm>> -> memref<1x128xi32, #tpu.memory_space<hbm>>
      %dma_wait3A_95 = tpu.memref_squeeze %dma_wait3A_94 : memref<1x128xi32, #tpu.memory_space<hbm>> -> memref<128xi32, #tpu.memory_space<hbm>>
      tpu.wait_dma2 semaphore(%run_scoped3A : memref<!tpu.dma_semaphore, #tpu.memory_space<semaphore_mem>>) src(%dma_wait3A_95 : memref<128xi32, #tpu.memory_space<hbm>>) dst(%arg9 : memref<128xi32, #tpu.memory_space<vmem>>)
      tpu.yield
    }) : () -> ()
    %add3A_63 = arith.constant 1 : i32
    %add3A_64 = arith.addi %mul3A_51, %add3A_63 : i32
    %mul3A_65 = arith.constant 128 : i32
    %mul3A_66 = arith.muli %add3A_64, %mul3A_65 : i32
    %dma_start3A_67 = arith.constant 0 : i32
    %dma_start3A_68 = tpu.memref_slice %arg2[%mul3A_66, %dma_start3A_67] : memref<320000x128xf32, #tpu.memory_space<hbm>> -> memref<128x128xf32, #tpu.memory_space<hbm>>
    %dma_start3A_69 = arith.constant 0 : i32
    %dma_start3A_70 = tpu.memref_slice %arg2[%mul3A_66, %dma_start3A_69] : memref<320000x128xf32, #tpu.memory_space<hbm>> -> memref<128x128xf32, #tpu.memory_space<hbm>>
    tpu.enqueue_dma source(%dma_start3A_70 : memref<128x128xf32, #tpu.memory_space<hbm>>) target(%arg11 : memref<128x128xf32, #tpu.memory_space<vmem>>) target_semaphore(%arg16 : memref<!tpu.dma_semaphore, #tpu.memory_space<semaphore_mem>>)
    %scan3A = arith.constant 0 : i32
    %scan3A_71 = arith.constant 39 : i32
    %scan3A_72 = arith.addi %scan3A, %scan3A_71 : i32
    %scan3A_73 = arith.constant 1 : i32
    scf.for %scan3A_85 = %scan3A to %scan3A_72 step %scan3A_73  : i32 {
      %mul3A_86 = arith.constant 1 : i32
      %mul3A_87 = arith.muli %scan3A_85, %mul3A_86 : i32
      %add3A_88 = arith.constant 0 : i32
      %add3A_89 = arith.addi %add3A_88, %mul3A_87 : i32
      %mul3A_90 = arith.constant 2 : i32
      %mul3A_91 = arith.muli %mul3A_90, %add3A_89 : i32
      %add3A_92 = arith.constant 0 : i32
      %add3A_93 = arith.addi %mul3A_91, %add3A_92 : i32
      %add3A_94 = arith.addi %mul3A_51, %add3A_93 : i32
      %mul3A_95 = arith.constant 128 : i32
      %mul3A_96 = arith.muli %add3A_94, %mul3A_95 : i32
      %dma_wait3A = arith.constant 0 : i32
      %dma_wait3A_97 = tpu.memref_slice %arg2[%mul3A_96, %dma_wait3A] : memref<320000x128xf32, #tpu.memory_space<hbm>> -> memref<128x128xf32, #tpu.memory_space<hbm>>
      %dma_wait3A_98 = arith.constant 0 : i32
      %dma_wait3A_99 = tpu.memref_slice %arg2[%mul3A_96, %dma_wait3A_98] : memref<320000x128xf32, #tpu.memory_space<hbm>> -> memref<128x128xf32, #tpu.memory_space<hbm>>
      tpu.wait_dma2 semaphore(%arg15 : memref<!tpu.dma_semaphore, #tpu.memory_space<semaphore_mem>>) src(%dma_wait3A_99 : memref<128x128xf32, #tpu.memory_space<hbm>>) dst(%arg10 : memref<128x128xf32, #tpu.memory_space<vmem>>)
      %scan3A_100 = arith.constant 0 : i32
      %scan3A_101 = arith.constant 0 : i32
      %scan3A_102 = arith.constant 128 : i32
      %scan3A_103 = arith.addi %scan3A_101, %scan3A_102 : i32
      %scan3A_104 = arith.constant 1 : i32
      scf.for %scan3A_143 = %scan3A_101 to %scan3A_103 step %scan3A_104  : i32 {
        %get3A_144 = arith.index_cast %scan3A_143 : i32 to index
        %get3A_145 = arith.constant 0 : index
        %get3A_146 = tpu.vector_load %arg10[%get3A_144, %get3A_145] {strides = array<i32>} : memref<128x128xf32, #tpu.memory_space<vmem>>, vector<1x16xf32>,
        %get3A_147 = vector.shape_cast %get3A_146 : vector<1x16xf32> to vector<16xf32>
        %mul3A_148 = arith.mulf %get3A_147, %get3A_4 : vector<16xf32>
        %add3A_149 = arith.addf %mul3A_148, %get3A_28 : vector<16xf32>
        %max3A = arith.constant 0.000000e+00 : f32
        %max3A_150 = vector.broadcast %max3A : f32 to vector<16xf32>
        %max3A_151 = arith.maximumf %add3A_149, %max3A_150 : vector<16xf32>
        %swap3A = arith.index_cast %scan3A_143 : i32 to index
        %swap3A_152 = arith.constant 0 : index
        %swap3A_153 = tpu.vector_load %arg10[%swap3A, %swap3A_152] {strides = array<i32>} : memref<128x128xf32, #tpu.memory_space<vmem>>, vector<1x16xf32>,
        %swap3A_154 = vector.shape_cast %swap3A_153 : vector<1x16xf32> to vector<16xf32>
        %swap3A_155 = vector.shape_cast %max3A_151 : vector<16xf32> to vector<1x16xf32>
        tpu.vector_store %arg10[%swap3A, %swap3A_152], %swap3A_155 {strides = array<i32>} : memref<128x128xf32, #tpu.memory_space<vmem>>, vector<1x16xf32>,
        %get3A_156 = arith.index_cast %scan3A_143 : i32 to index
        %get3A_157 = arith.constant 16 : index
        %get3A_158 = tpu.vector_load %arg10[%get3A_156, %get3A_157] {strides = array<i32>} : memref<128x128xf32, #tpu.memory_space<vmem>>, vector<1x16xf32>,
        %get3A_159 = vector.shape_cast %get3A_158 : vector<1x16xf32> to vector<16xf32>
        %mul3A_160 = arith.mulf %get3A_159, %get3A_7 : vector<16xf32>
        %add3A_161 = arith.addf %mul3A_160, %get3A_31 : vector<16xf32>
        %max3A_162 = arith.constant 0.000000e+00 : f32
        %max3A_163 = vector.broadcast %max3A_162 : f32 to vector<16xf32>
        %max3A_164 = arith.maximumf %add3A_161, %max3A_163 : vector<16xf32>
        %swap3A_165 = arith.index_cast %scan3A_143 : i32 to index
        %swap3A_166 = arith.constant 16 : index
        %swap3A_167 = tpu.vector_load %arg10[%swap3A_165, %swap3A_166] {strides = array<i32>} : memref<128x128xf32, #tpu.memory_space<vmem>>, vector<1x16xf32>,
        %swap3A_168 = vector.shape_cast %swap3A_167 : vector<1x16xf32> to vector<16xf32>
        %swap3A_169 = vector.shape_cast %max3A_164 : vector<16xf32> to vector<1x16xf32>
        tpu.vector_store %arg10[%swap3A_165, %swap3A_166], %swap3A_169 {strides = array<i32>} : memref<128x128xf32, #tpu.memory_space<vmem>>, vector<1x16xf32>,
        %get3A_170 = arith.index_cast %scan3A_143 : i32 to index
        %get3A_171 = arith.constant 32 : index
        %get3A_172 = tpu.vector_load %arg10[%get3A_170, %get3A_171] {strides = array<i32>} : memref<128x128xf32, #tpu.memory_space<vmem>>, vector<1x16xf32>,
        %get3A_173 = vector.shape_cast %get3A_172 : vector<1x16xf32> to vector<16xf32>
        %mul3A_174 = arith.mulf %get3A_173, %get3A_10 : vector<16xf32>
        %add3A_175 = arith.addf %mul3A_174, %get3A_34 : vector<16xf32>
        %max3A_176 = arith.constant 0.000000e+00 : f32
        %max3A_177 = vector.broadcast %max3A_176 : f32 to vector<16xf32>
        %max3A_178 = arith.maximumf %add3A_175, %max3A_177 : vector<16xf32>
        %swap3A_179 = arith.index_cast %scan3A_143 : i32 to index
        %swap3A_180 = arith.constant 32 : index
        %swap3A_181 = tpu.vector_load %arg10[%swap3A_179, %swap3A_180] {strides = array<i32>} : memref<128x128xf32, #tpu.memory_space<vmem>>, vector<1x16xf32>,
        %swap3A_182 = vector.shape_cast %swap3A_181 : vector<1x16xf32> to vector<16xf32>
        %swap3A_183 = vector.shape_cast %max3A_178 : vector<16xf32> to vector<1x16xf32>
        tpu.vector_store %arg10[%swap3A_179, %swap3A_180], %swap3A_183 {strides = array<i32>} : memref<128x128xf32, #tpu.memory_space<vmem>>, vector<1x16xf32>,
        %get3A_184 = arith.index_cast %scan3A_143 : i32 to index
        %get3A_185 = arith.constant 48 : index
        %get3A_186 = tpu.vector_load %arg10[%get3A_184, %get3A_185] {strides = array<i32>} : memref<128x128xf32, #tpu.memory_space<vmem>>, vector<1x16xf32>,
        %get3A_187 = vector.shape_cast %get3A_186 : vector<1x16xf32> to vector<16xf32>
        %mul3A_188 = arith.mulf %get3A_187, %get3A_13 : vector<16xf32>
        %add3A_189 = arith.addf %mul3A_188, %get3A_37 : vector<16xf32>
        %max3A_190 = arith.constant 0.000000e+00 : f32
        %max3A_191 = vector.broadcast %max3A_190 : f32 to vector<16xf32>
        %max3A_192 = arith.maximumf %add3A_189, %max3A_191 : vector<16xf32>
        %swap3A_193 = arith.index_cast %scan3A_143 : i32 to index
        %swap3A_194 = arith.constant 48 : index
        %swap3A_195 = tpu.vector_load %arg10[%swap3A_193, %swap3A_194] {strides = array<i32>} : memref<128x128xf32, #tpu.memory_space<vmem>>, vector<1x16xf32>,
        %swap3A_196 = vector.shape_cast %swap3A_195 : vector<1x16xf32> to vector<16xf32>
        %swap3A_197 = vector.shape_cast %max3A_192 : vector<16xf32> to vector<1x16xf32>
        tpu.vector_store %arg10[%swap3A_193, %swap3A_194], %swap3A_197 {strides = array<i32>} : memref<128x128xf32, #tpu.memory_space<vmem>>, vector<1x16xf32>,
        %get3A_198 = arith.index_cast %scan3A_143 : i32 to index
        %get3A_199 = arith.constant 64 : index
        %get3A_200 = tpu.vector_load %arg10[%get3A_198, %get3A_199] {strides = array<i32>} : memref<128x128xf32, #tpu.memory_space<vmem>>, vector<1x16xf32>,
        %get3A_201 = vector.shape_cast %get3A_200 : vector<1x16xf32> to vector<16xf32>
        %mul3A_202 = arith.mulf %get3A_201, %get3A_16 : vector<16xf32>
        %add3A_203 = arith.addf %mul3A_202, %get3A_40 : vector<16xf32>
        %max3A_204 = arith.constant 0.000000e+00 : f32
        %max3A_205 = vector.broadcast %max3A_204 : f32 to vector<16xf32>
        %max3A_206 = arith.maximumf %add3A_203, %max3A_205 : vector<16xf32>
        %swap3A_207 = arith.index_cast %scan3A_143 : i32 to index
        %swap3A_208 = arith.constant 64 : index
        %swap3A_209 = tpu.vector_load %arg10[%swap3A_207, %swap3A_208] {strides = array<i32>} : memref<128x128xf32, #tpu.memory_space<vmem>>, vector<1x16xf32>,
        %swap3A_210 = vector.shape_cast %swap3A_209 : vector<1x16xf32> to vector<16xf32>
        %swap3A_211 = vector.shape_cast %max3A_206 : vector<16xf32> to vector<1x16xf32>
        tpu.vector_store %arg10[%swap3A_207, %swap3A_208], %swap3A_211 {strides = array<i32>} : memref<128x128xf32, #tpu.memory_space<vmem>>, vector<1x16xf32>,
        %get3A_212 = arith.index_cast %scan3A_143 : i32 to index
        %get3A_213 = arith.constant 80 : index
        %get3A_214 = tpu.vector_load %arg10[%get3A_212, %get3A_213] {strides = array<i32>} : memref<128x128xf32, #tpu.memory_space<vmem>>, vector<1x16xf32>,
        %get3A_215 = vector.shape_cast %get3A_214 : vector<1x16xf32> to vector<16xf32>
        %mul3A_216 = arith.mulf %get3A_215, %get3A_19 : vector<16xf32>
        %add3A_217 = arith.addf %mul3A_216, %get3A_43 : vector<16xf32>
        %max3A_218 = arith.constant 0.000000e+00 : f32
        %max3A_219 = vector.broadcast %max3A_218 : f32 to vector<16xf32>
        %max3A_220 = arith.maximumf %add3A_217, %max3A_219 : vector<16xf32>
        %swap3A_221 = arith.index_cast %scan3A_143 : i32 to index
        %swap3A_222 = arith.constant 80 : index
        %swap3A_223 = tpu.vector_load %arg10[%swap3A_221, %swap3A_222] {strides = array<i32>} : memref<128x128xf32, #tpu.memory_space<vmem>>, vector<1x16xf32>,
        %swap3A_224 = vector.shape_cast %swap3A_223 : vector<1x16xf32> to vector<16xf32>
        %swap3A_225 = vector.shape_cast %max3A_220 : vector<16xf32> to vector<1x16xf32>
        tpu.vector_store %arg10[%swap3A_221, %swap3A_222], %swap3A_225 {strides = array<i32>} : memref<128x128xf32, #tpu.memory_space<vmem>>, vector<1x16xf32>,
        %get3A_226 = arith.index_cast %scan3A_143 : i32 to index
        %get3A_227 = arith.constant 96 : index
        %get3A_228 = tpu.vector_load %arg10[%get3A_226, %get3A_227] {strides = array<i32>} : memref<128x128xf32, #tpu.memory_space<vmem>>, vector<1x16xf32>,
        %get3A_229 = vector.shape_cast %get3A_228 : vector<1x16xf32> to vector<16xf32>
        %mul3A_230 = arith.mulf %get3A_229, %get3A_22 : vector<16xf32>
        %add3A_231 = arith.addf %mul3A_230, %get3A_46 : vector<16xf32>
        %max3A_232 = arith.constant 0.000000e+00 : f32
        %max3A_233 = vector.broadcast %max3A_232 : f32 to vector<16xf32>
        %max3A_234 = arith.maximumf %add3A_231, %max3A_233 : vector<16xf32>
        %swap3A_235 = arith.index_cast %scan3A_143 : i32 to index
        %swap3A_236 = arith.constant 96 : index
        %swap3A_237 = tpu.vector_load %arg10[%swap3A_235, %swap3A_236] {strides = array<i32>} : memref<128x128xf32, #tpu.memory_space<vmem>>, vector<1x16xf32>,
        %swap3A_238 = vector.shape_cast %swap3A_237 : vector<1x16xf32> to vector<16xf32>
        %swap3A_239 = vector.shape_cast %max3A_234 : vector<16xf32> to vector<1x16xf32>
        tpu.vector_store %arg10[%swap3A_235, %swap3A_236], %swap3A_239 {strides = array<i32>} : memref<128x128xf32, #tpu.memory_space<vmem>>, vector<1x16xf32>,
        %get3A_240 = arith.index_cast %scan3A_143 : i32 to index
        %get3A_241 = arith.constant 112 : index
        %get3A_242 = tpu.vector_load %arg10[%get3A_240, %get3A_241] {strides = array<i32>} : memref<128x128xf32, #tpu.memory_space<vmem>>, vector<1x16xf32>,
        %get3A_243 = vector.shape_cast %get3A_242 : vector<1x16xf32> to vector<16xf32>
        %mul3A_244 = arith.mulf %get3A_243, %get3A_25 : vector<16xf32>
        %add3A_245 = arith.addf %mul3A_244, %get3A_49 : vector<16xf32>
        %max3A_246 = arith.constant 0.000000e+00 : f32
        %max3A_247 = vector.broadcast %max3A_246 : f32 to vector<16xf32>
        %max3A_248 = arith.maximumf %add3A_245, %max3A_247 : vector<16xf32>
        %swap3A_249 = arith.index_cast %scan3A_143 : i32 to index
        %swap3A_250 = arith.constant 112 : index
        %swap3A_251 = tpu.vector_load %arg10[%swap3A_249, %swap3A_250] {strides = array<i32>} : memref<128x128xf32, #tpu.memory_space<vmem>>, vector<1x16xf32>,
        %swap3A_252 = vector.shape_cast %swap3A_251 : vector<1x16xf32> to vector<16xf32>
        %swap3A_253 = vector.shape_cast %max3A_248 : vector<16xf32> to vector<1x16xf32>
        tpu.vector_store %arg10[%swap3A_249, %swap3A_250], %swap3A_253 {strides = array<i32>} : memref<128x128xf32, #tpu.memory_space<vmem>>, vector<1x16xf32>,
      }
      %scan3A_105 = arith.constant 128 : i32
      "tpu.region"() ({
        %run_scoped3A = tpu.sem_alloc : memref<!tpu.dma_semaphore, #tpu.memory_space<semaphore_mem>>
        %dma_start3A_143 = arith.constant 0 : i32
        %dma_start3A_144 = arith.constant 0 : i32
        %dma_start3A_145 = tpu.memref_slice %arg14[%dma_start3A_143, %dma_start3A_144] : memref<10112x128xf32, #tpu.memory_space<vmem_shared>> -> memref<10112x128xf32, #tpu.memory_space<vmem_shared>>
        tpu.enqueue_indirect_dma source(%arg10 : memref<128x128xf32, #tpu.memory_space<vmem>>) target(%dma_start3A_145 : memref<10112x128xf32, #tpu.memory_space<vmem_shared>>) offsets(%arg8 : memref<128xi32, #tpu.memory_space<vmem>>) semaphore(%run_scoped3A : memref<!tpu.dma_semaphore, #tpu.memory_space<semaphore_mem>>) {add = true}
        %dma_wait3A_146 = arith.constant 0 : i32
        %dma_wait3A_147 = arith.constant 0 : i32
        %dma_wait3A_148 = tpu.memref_slice %arg14[%dma_wait3A_146, %dma_wait3A_147] : memref<10112x128xf32, #tpu.memory_space<vmem_shared>> -> memref<10112x128xf32, #tpu.memory_space<vmem_shared>>
        tpu.wait_indirect_dma semaphore(%run_scoped3A : memref<!tpu.dma_semaphore, #tpu.memory_space<semaphore_mem>>) src(%arg10 : memref<128x128xf32, #tpu.memory_space<vmem>>) dst(%dma_wait3A_148 : memref<10112x128xf32, #tpu.memory_space<vmem_shared>>)
        tpu.yield
      }) : () -> ()
      %add3A_106 = arith.addi %mul3A_51, %add3A_93 : i32
      %add3A_107 = arith.constant 2 : i32
      %add3A_108 = arith.addi %add3A_106, %add3A_107 : i32
      "tpu.region"() ({
        %run_scoped3A = tpu.sem_alloc : memref<!tpu.dma_semaphore, #tpu.memory_space<semaphore_mem>>
        %dma_start3A_143 = arith.constant 0 : i32
        %dma_start3A_144 = tpu.memref_slice %arg3[%add3A_108, %dma_start3A_143] : memref<2500x128xi32, #tpu.memory_space<hbm>> -> memref<1x128xi32, #tpu.memory_space<hbm>>
        %dma_start3A_145 = tpu.memref_squeeze %dma_start3A_144 : memref<1x128xi32, #tpu.memory_space<hbm>> -> memref<128xi32, #tpu.memory_space<hbm>>
        %dma_start3A_146 = arith.constant 0 : i32
        %dma_start3A_147 = tpu.memref_slice %arg3[%add3A_108, %dma_start3A_146] : memref<2500x128xi32, #tpu.memory_space<hbm>> -> memref<1x128xi32, #tpu.memory_space<hbm>>
        %dma_start3A_148 = tpu.memref_squeeze %dma_start3A_147 : memref<1x128xi32, #tpu.memory_space<hbm>> -> memref<128xi32, #tpu.memory_space<hbm>>
        tpu.enqueue_dma source(%dma_start3A_148 : memref<128xi32, #tpu.memory_space<hbm>>) target(%arg8 : memref<128xi32, #tpu.memory_space<vmem>>) target_semaphore(%run_scoped3A : memref<!tpu.dma_semaphore, #tpu.memory_space<semaphore_mem>>)
        %dma_wait3A_149 = arith.constant 0 : i32
        %dma_wait3A_150 = tpu.memref_slice %arg3[%add3A_108, %dma_wait3A_149] : memref<2500x128xi32, #tpu.memory_space<hbm>> -> memref<1x128xi32, #tpu.memory_space<hbm>>
        %dma_wait3A_151 = tpu.memref_squeeze %dma_wait3A_150 : memref<1x128xi32, #tpu.memory_space<hbm>> -> memref<128xi32, #tpu.memory_space<hbm>>
        %dma_wait3A_152 = arith.constant 0 : i32
        %dma_wait3A_153 = tpu.memref_slice %arg3[%add3A_108, %dma_wait3A_152] : memref<2500x128xi32, #tpu.memory_space<hbm>> -> memref<1x128xi32, #tpu.memory_space<hbm>>
        %dma_wait3A_154 = tpu.memref_squeeze %dma_wait3A_153 : memref<1x128xi32, #tpu.memory_space<hbm>> -> memref<128xi32, #tpu.memory_space<hbm>>
        tpu.wait_dma2 semaphore(%run_scoped3A : memref<!tpu.dma_semaphore, #tpu.memory_space<semaphore_mem>>) src(%dma_wait3A_154 : memref<128xi32, #tpu.memory_space<hbm>>) dst(%arg8 : memref<128xi32, #tpu.memory_space<vmem>>)
        tpu.yield
      }) : () -> ()
      %add3A_109 = arith.constant 2 : i32
      %add3A_110 = arith.addi %add3A_93, %add3A_109 : i32
      %lt3A_111 = arith.constant 78 : i32
      %lt3A_112 = arith.cmpi slt, %add3A_110, %lt3A_111 : i32
      %convert_element_type3A_113 = arith.extui %lt3A_112 : i1 to i32
      %cond3A_114 = arith.constant 0 : i32
      %cond3A_115 = arith.cmpi ne, %convert_element_type3A_113, %cond3A_114 : i32
      scf.if %cond3A_115 {
        %add3A_143 = arith.addi %mul3A_51, %add3A_93 : i32
        %add3A_144 = arith.constant 2 : i32
        %add3A_145 = arith.addi %add3A_143, %add3A_144 : i32
        %mul3A_146 = arith.constant 128 : i32
        %mul3A_147 = arith.muli %add3A_145, %mul3A_146 : i32
        %dma_start3A_148 = arith.constant 0 : i32
        %dma_start3A_149 = tpu.memref_slice %arg2[%mul3A_147, %dma_start3A_148] : memref<320000x128xf32, #tpu.memory_space<hbm>> -> memref<128x128xf32, #tpu.memory_space<hbm>>
        %dma_start3A_150 = arith.constant 0 : i32
        %dma_start3A_151 = tpu.memref_slice %arg2[%mul3A_147, %dma_start3A_150] : memref<320000x128xf32, #tpu.memory_space<hbm>> -> memref<128x128xf32, #tpu.memory_space<hbm>>
        tpu.enqueue_dma source(%dma_start3A_151 : memref<128x128xf32, #tpu.memory_space<hbm>>) target(%arg10 : memref<128x128xf32, #tpu.memory_space<vmem>>) target_semaphore(%arg15 : memref<!tpu.dma_semaphore, #tpu.memory_space<semaphore_mem>>)
      } else {
      }
      %mul3A_116 = arith.constant 2 : i32
      %mul3A_117 = arith.muli %mul3A_116, %add3A_89 : i32
      %add3A_118 = arith.constant 1 : i32
      %add3A_119 = arith.addi %mul3A_117, %add3A_118 : i32
      %add3A_120 = arith.addi %mul3A_51, %add3A_119 : i32
      %mul3A_121 = arith.constant 128 : i32
      %mul3A_122 = arith.muli %add3A_120, %mul3A_121 : i32
      %dma_wait3A_123 = arith.constant 0 : i32
      %dma_wait3A_124 = tpu.memref_slice %arg2[%mul3A_122, %dma_wait3A_123] : memref<320000x128xf32, #tpu.memory_space<hbm>> -> memref<128x128xf32, #tpu.memory_space<hbm>>
      %dma_wait3A_125 = arith.constant 0 : i32
      %dma_wait3A_126 = tpu.memref_slice %arg2[%mul3A_122, %dma_wait3A_125] : memref<320000x128xf32, #tpu.memory_space<hbm>> -> memref<128x128xf32, #tpu.memory_space<hbm>>
      tpu.wait_dma2 semaphore(%arg16 : memref<!tpu.dma_semaphore, #tpu.memory_space<semaphore_mem>>) src(%dma_wait3A_126 : memref<128x128xf32, #tpu.memory_space<hbm>>) dst(%arg11 : memref<128x128xf32, #tpu.memory_space<vmem>>)
      %scan3A_127 = arith.constant 0 : i32
      %scan3A_128 = arith.constant 0 : i32
      %scan3A_129 = arith.constant 128 : i32
      %scan3A_130 = arith.addi %scan3A_128, %scan3A_129 : i32
      %scan3A_131 = arith.constant 1 : i32
      scf.for %scan3A_143 = %scan3A_128 to %scan3A_130 step %scan3A_131  : i32 {
        %get3A_144 = arith.index_cast %scan3A_143 : i32 to index
        %get3A_145 = arith.constant 0 : index
        %get3A_146 = tpu.vector_load %arg11[%get3A_144, %get3A_145] {strides = array<i32>} : memref<128x128xf32, #tpu.memory_space<vmem>>, vector<1x16xf32>,
        %get3A_147 = vector.shape_cast %get3A_146 : vector<1x16xf32> to vector<16xf32>
        %mul3A_148 = arith.mulf %get3A_147, %get3A_4 : vector<16xf32>
        %add3A_149 = arith.addf %mul3A_148, %get3A_28 : vector<16xf32>
        %max3A = arith.constant 0.000000e+00 : f32
        %max3A_150 = vector.broadcast %max3A : f32 to vector<16xf32>
        %max3A_151 = arith.maximumf %add3A_149, %max3A_150 : vector<16xf32>
        %swap3A = arith.index_cast %scan3A_143 : i32 to index
        %swap3A_152 = arith.constant 0 : index
        %swap3A_153 = tpu.vector_load %arg11[%swap3A, %swap3A_152] {strides = array<i32>} : memref<128x128xf32, #tpu.memory_space<vmem>>, vector<1x16xf32>,
        %swap3A_154 = vector.shape_cast %swap3A_153 : vector<1x16xf32> to vector<16xf32>
        %swap3A_155 = vector.shape_cast %max3A_151 : vector<16xf32> to vector<1x16xf32>
        tpu.vector_store %arg11[%swap3A, %swap3A_152], %swap3A_155 {strides = array<i32>} : memref<128x128xf32, #tpu.memory_space<vmem>>, vector<1x16xf32>,
        %get3A_156 = arith.index_cast %scan3A_143 : i32 to index
        %get3A_157 = arith.constant 16 : index
        %get3A_158 = tpu.vector_load %arg11[%get3A_156, %get3A_157] {strides = array<i32>} : memref<128x128xf32, #tpu.memory_space<vmem>>, vector<1x16xf32>,
        %get3A_159 = vector.shape_cast %get3A_158 : vector<1x16xf32> to vector<16xf32>
        %mul3A_160 = arith.mulf %get3A_159, %get3A_7 : vector<16xf32>
        %add3A_161 = arith.addf %mul3A_160, %get3A_31 : vector<16xf32>
        %max3A_162 = arith.constant 0.000000e+00 : f32
        %max3A_163 = vector.broadcast %max3A_162 : f32 to vector<16xf32>
        %max3A_164 = arith.maximumf %add3A_161, %max3A_163 : vector<16xf32>
        %swap3A_165 = arith.index_cast %scan3A_143 : i32 to index
        %swap3A_166 = arith.constant 16 : index
        %swap3A_167 = tpu.vector_load %arg11[%swap3A_165, %swap3A_166] {strides = array<i32>} : memref<128x128xf32, #tpu.memory_space<vmem>>, vector<1x16xf32>,
        %swap3A_168 = vector.shape_cast %swap3A_167 : vector<1x16xf32> to vector<16xf32>
        %swap3A_169 = vector.shape_cast %max3A_164 : vector<16xf32> to vector<1x16xf32>
        tpu.vector_store %arg11[%swap3A_165, %swap3A_166], %swap3A_169 {strides = array<i32>} : memref<128x128xf32, #tpu.memory_space<vmem>>, vector<1x16xf32>,
        %get3A_170 = arith.index_cast %scan3A_143 : i32 to index
        %get3A_171 = arith.constant 32 : index
        %get3A_172 = tpu.vector_load %arg11[%get3A_170, %get3A_171] {strides = array<i32>} : memref<128x128xf32, #tpu.memory_space<vmem>>, vector<1x16xf32>,
        %get3A_173 = vector.shape_cast %get3A_172 : vector<1x16xf32> to vector<16xf32>
        %mul3A_174 = arith.mulf %get3A_173, %get3A_10 : vector<16xf32>
        %add3A_175 = arith.addf %mul3A_174, %get3A_34 : vector<16xf32>
        %max3A_176 = arith.constant 0.000000e+00 : f32
        %max3A_177 = vector.broadcast %max3A_176 : f32 to vector<16xf32>
        %max3A_178 = arith.maximumf %add3A_175, %max3A_177 : vector<16xf32>
        %swap3A_179 = arith.index_cast %scan3A_143 : i32 to index
        %swap3A_180 = arith.constant 32 : index
        %swap3A_181 = tpu.vector_load %arg11[%swap3A_179, %swap3A_180] {strides = array<i32>} : memref<128x128xf32, #tpu.memory_space<vmem>>, vector<1x16xf32>,
        %swap3A_182 = vector.shape_cast %swap3A_181 : vector<1x16xf32> to vector<16xf32>
        %swap3A_183 = vector.shape_cast %max3A_178 : vector<16xf32> to vector<1x16xf32>
        tpu.vector_store %arg11[%swap3A_179, %swap3A_180], %swap3A_183 {strides = array<i32>} : memref<128x128xf32, #tpu.memory_space<vmem>>, vector<1x16xf32>,
        %get3A_184 = arith.index_cast %scan3A_143 : i32 to index
        %get3A_185 = arith.constant 48 : index
        %get3A_186 = tpu.vector_load %arg11[%get3A_184, %get3A_185] {strides = array<i32>} : memref<128x128xf32, #tpu.memory_space<vmem>>, vector<1x16xf32>,
        %get3A_187 = vector.shape_cast %get3A_186 : vector<1x16xf32> to vector<16xf32>
        %mul3A_188 = arith.mulf %get3A_187, %get3A_13 : vector<16xf32>
        %add3A_189 = arith.addf %mul3A_188, %get3A_37 : vector<16xf32>
        %max3A_190 = arith.constant 0.000000e+00 : f32
        %max3A_191 = vector.broadcast %max3A_190 : f32 to vector<16xf32>
        %max3A_192 = arith.maximumf %add3A_189, %max3A_191 : vector<16xf32>
        %swap3A_193 = arith.index_cast %scan3A_143 : i32 to index
        %swap3A_194 = arith.constant 48 : index
        %swap3A_195 = tpu.vector_load %arg11[%swap3A_193, %swap3A_194] {strides = array<i32>} : memref<128x128xf32, #tpu.memory_space<vmem>>, vector<1x16xf32>,
        %swap3A_196 = vector.shape_cast %swap3A_195 : vector<1x16xf32> to vector<16xf32>
        %swap3A_197 = vector.shape_cast %max3A_192 : vector<16xf32> to vector<1x16xf32>
        tpu.vector_store %arg11[%swap3A_193, %swap3A_194], %swap3A_197 {strides = array<i32>} : memref<128x128xf32, #tpu.memory_space<vmem>>, vector<1x16xf32>,
        %get3A_198 = arith.index_cast %scan3A_143 : i32 to index
        %get3A_199 = arith.constant 64 : index
        %get3A_200 = tpu.vector_load %arg11[%get3A_198, %get3A_199] {strides = array<i32>} : memref<128x128xf32, #tpu.memory_space<vmem>>, vector<1x16xf32>,
        %get3A_201 = vector.shape_cast %get3A_200 : vector<1x16xf32> to vector<16xf32>
        %mul3A_202 = arith.mulf %get3A_201, %get3A_16 : vector<16xf32>
        %add3A_203 = arith.addf %mul3A_202, %get3A_40 : vector<16xf32>
        %max3A_204 = arith.constant 0.000000e+00 : f32
        %max3A_205 = vector.broadcast %max3A_204 : f32 to vector<16xf32>
        %max3A_206 = arith.maximumf %add3A_203, %max3A_205 : vector<16xf32>
        %swap3A_207 = arith.index_cast %scan3A_143 : i32 to index
        %swap3A_208 = arith.constant 64 : index
        %swap3A_209 = tpu.vector_load %arg11[%swap3A_207, %swap3A_208] {strides = array<i32>} : memref<128x128xf32, #tpu.memory_space<vmem>>, vector<1x16xf32>,
        %swap3A_210 = vector.shape_cast %swap3A_209 : vector<1x16xf32> to vector<16xf32>
        %swap3A_211 = vector.shape_cast %max3A_206 : vector<16xf32> to vector<1x16xf32>
        tpu.vector_store %arg11[%swap3A_207, %swap3A_208], %swap3A_211 {strides = array<i32>} : memref<128x128xf32, #tpu.memory_space<vmem>>, vector<1x16xf32>,
        %get3A_212 = arith.index_cast %scan3A_143 : i32 to index
        %get3A_213 = arith.constant 80 : index
        %get3A_214 = tpu.vector_load %arg11[%get3A_212, %get3A_213] {strides = array<i32>} : memref<128x128xf32, #tpu.memory_space<vmem>>, vector<1x16xf32>,
        %get3A_215 = vector.shape_cast %get3A_214 : vector<1x16xf32> to vector<16xf32>
        %mul3A_216 = arith.mulf %get3A_215, %get3A_19 : vector<16xf32>
        %add3A_217 = arith.addf %mul3A_216, %get3A_43 : vector<16xf32>
        %max3A_218 = arith.constant 0.000000e+00 : f32
        %max3A_219 = vector.broadcast %max3A_218 : f32 to vector<16xf32>
        %max3A_220 = arith.maximumf %add3A_217, %max3A_219 : vector<16xf32>
        %swap3A_221 = arith.index_cast %scan3A_143 : i32 to index
        %swap3A_222 = arith.constant 80 : index
        %swap3A_223 = tpu.vector_load %arg11[%swap3A_221, %swap3A_222] {strides = array<i32>} : memref<128x128xf32, #tpu.memory_space<vmem>>, vector<1x16xf32>,
        %swap3A_224 = vector.shape_cast %swap3A_223 : vector<1x16xf32> to vector<16xf32>
        %swap3A_225 = vector.shape_cast %max3A_220 : vector<16xf32> to vector<1x16xf32>
        tpu.vector_store %arg11[%swap3A_221, %swap3A_222], %swap3A_225 {strides = array<i32>} : memref<128x128xf32, #tpu.memory_space<vmem>>, vector<1x16xf32>,
        %get3A_226 = arith.index_cast %scan3A_143 : i32 to index
        %get3A_227 = arith.constant 96 : index
        %get3A_228 = tpu.vector_load %arg11[%get3A_226, %get3A_227] {strides = array<i32>} : memref<128x128xf32, #tpu.memory_space<vmem>>, vector<1x16xf32>,
        %get3A_229 = vector.shape_cast %get3A_228 : vector<1x16xf32> to vector<16xf32>
        %mul3A_230 = arith.mulf %get3A_229, %get3A_22 : vector<16xf32>
        %add3A_231 = arith.addf %mul3A_230, %get3A_46 : vector<16xf32>
        %max3A_232 = arith.constant 0.000000e+00 : f32
        %max3A_233 = vector.broadcast %max3A_232 : f32 to vector<16xf32>
        %max3A_234 = arith.maximumf %add3A_231, %max3A_233 : vector<16xf32>
        %swap3A_235 = arith.index_cast %scan3A_143 : i32 to index
        %swap3A_236 = arith.constant 96 : index
        %swap3A_237 = tpu.vector_load %arg11[%swap3A_235, %swap3A_236] {strides = array<i32>} : memref<128x128xf32, #tpu.memory_space<vmem>>, vector<1x16xf32>,
        %swap3A_238 = vector.shape_cast %swap3A_237 : vector<1x16xf32> to vector<16xf32>
        %swap3A_239 = vector.shape_cast %max3A_234 : vector<16xf32> to vector<1x16xf32>
        tpu.vector_store %arg11[%swap3A_235, %swap3A_236], %swap3A_239 {strides = array<i32>} : memref<128x128xf32, #tpu.memory_space<vmem>>, vector<1x16xf32>,
        %get3A_240 = arith.index_cast %scan3A_143 : i32 to index
        %get3A_241 = arith.constant 112 : index
        %get3A_242 = tpu.vector_load %arg11[%get3A_240, %get3A_241] {strides = array<i32>} : memref<128x128xf32, #tpu.memory_space<vmem>>, vector<1x16xf32>,
        %get3A_243 = vector.shape_cast %get3A_242 : vector<1x16xf32> to vector<16xf32>
        %mul3A_244 = arith.mulf %get3A_243, %get3A_25 : vector<16xf32>
        %add3A_245 = arith.addf %mul3A_244, %get3A_49 : vector<16xf32>
        %max3A_246 = arith.constant 0.000000e+00 : f32
        %max3A_247 = vector.broadcast %max3A_246 : f32 to vector<16xf32>
        %max3A_248 = arith.maximumf %add3A_245, %max3A_247 : vector<16xf32>
        %swap3A_249 = arith.index_cast %scan3A_143 : i32 to index
        %swap3A_250 = arith.constant 112 : index
        %swap3A_251 = tpu.vector_load %arg11[%swap3A_249, %swap3A_250] {strides = array<i32>} : memref<128x128xf32, #tpu.memory_space<vmem>>, vector<1x16xf32>,
        %swap3A_252 = vector.shape_cast %swap3A_251 : vector<1x16xf32> to vector<16xf32>
        %swap3A_253 = vector.shape_cast %max3A_248 : vector<16xf32> to vector<1x16xf32>
        tpu.vector_store %arg11[%swap3A_249, %swap3A_250], %swap3A_253 {strides = array<i32>} : memref<128x128xf32, #tpu.memory_space<vmem>>, vector<1x16xf32>,
      }
      %scan3A_132 = arith.constant 128 : i32
      "tpu.region"() ({
        %run_scoped3A = tpu.sem_alloc : memref<!tpu.dma_semaphore, #tpu.memory_space<semaphore_mem>>
        %dma_start3A_143 = arith.constant 0 : i32
        %dma_start3A_144 = arith.constant 0 : i32
        %dma_start3A_145 = tpu.memref_slice %arg14[%dma_start3A_143, %dma_start3A_144] : memref<10112x128xf32, #tpu.memory_space<vmem_shared>> -> memref<10112x128xf32, #tpu.memory_space<vmem_shared>>
        tpu.enqueue_indirect_dma source(%arg11 : memref<128x128xf32, #tpu.memory_space<vmem>>) target(%dma_start3A_145 : memref<10112x128xf32, #tpu.memory_space<vmem_shared>>) offsets(%arg9 : memref<128xi32, #tpu.memory_space<vmem>>) semaphore(%run_scoped3A : memref<!tpu.dma_semaphore, #tpu.memory_space<semaphore_mem>>) {add = true}
        %dma_wait3A_146 = arith.constant 0 : i32
        %dma_wait3A_147 = arith.constant 0 : i32
        %dma_wait3A_148 = tpu.memref_slice %arg14[%dma_wait3A_146, %dma_wait3A_147] : memref<10112x128xf32, #tpu.memory_space<vmem_shared>> -> memref<10112x128xf32, #tpu.memory_space<vmem_shared>>
        tpu.wait_indirect_dma semaphore(%run_scoped3A : memref<!tpu.dma_semaphore, #tpu.memory_space<semaphore_mem>>) src(%arg11 : memref<128x128xf32, #tpu.memory_space<vmem>>) dst(%dma_wait3A_148 : memref<10112x128xf32, #tpu.memory_space<vmem_shared>>)
        tpu.yield
      }) : () -> ()
      %add3A_133 = arith.addi %mul3A_51, %add3A_119 : i32
      %add3A_134 = arith.constant 2 : i32
      %add3A_135 = arith.addi %add3A_133, %add3A_134 : i32
      "tpu.region"() ({
        %run_scoped3A = tpu.sem_alloc : memref<!tpu.dma_semaphore, #tpu.memory_space<semaphore_mem>>
        %dma_start3A_143 = arith.constant 0 : i32
        %dma_start3A_144 = tpu.memref_slice %arg3[%add3A_135, %dma_start3A_143] : memref<2500x128xi32, #tpu.memory_space<hbm>> -> memref<1x128xi32, #tpu.memory_space<hbm>>
        %dma_start3A_145 = tpu.memref_squeeze %dma_start3A_144 : memref<1x128xi32, #tpu.memory_space<hbm>> -> memref<128xi32, #tpu.memory_space<hbm>>
        %dma_start3A_146 = arith.constant 0 : i32
        %dma_start3A_147 = tpu.memref_slice %arg3[%add3A_135, %dma_start3A_146] : memref<2500x128xi32, #tpu.memory_space<hbm>> -> memref<1x128xi32, #tpu.memory_space<hbm>>
        %dma_start3A_148 = tpu.memref_squeeze %dma_start3A_147 : memref<1x128xi32, #tpu.memory_space<hbm>> -> memref<128xi32, #tpu.memory_space<hbm>>
        tpu.enqueue_dma source(%dma_start3A_148 : memref<128xi32, #tpu.memory_space<hbm>>) target(%arg9 : memref<128xi32, #tpu.memory_space<vmem>>) target_semaphore(%run_scoped3A : memref<!tpu.dma_semaphore, #tpu.memory_space<semaphore_mem>>)
        %dma_wait3A_149 = arith.constant 0 : i32
        %dma_wait3A_150 = tpu.memref_slice %arg3[%add3A_135, %dma_wait3A_149] : memref<2500x128xi32, #tpu.memory_space<hbm>> -> memref<1x128xi32, #tpu.memory_space<hbm>>
        %dma_wait3A_151 = tpu.memref_squeeze %dma_wait3A_150 : memref<1x128xi32, #tpu.memory_space<hbm>> -> memref<128xi32, #tpu.memory_space<hbm>>
        %dma_wait3A_152 = arith.constant 0 : i32
        %dma_wait3A_153 = tpu.memref_slice %arg3[%add3A_135, %dma_wait3A_152] : memref<2500x128xi32, #tpu.memory_space<hbm>> -> memref<1x128xi32, #tpu.memory_space<hbm>>
        %dma_wait3A_154 = tpu.memref_squeeze %dma_wait3A_153 : memref<1x128xi32, #tpu.memory_space<hbm>> -> memref<128xi32, #tpu.memory_space<hbm>>
        tpu.wait_dma2 semaphore(%run_scoped3A : memref<!tpu.dma_semaphore, #tpu.memory_space<semaphore_mem>>) src(%dma_wait3A_154 : memref<128xi32, #tpu.memory_space<hbm>>) dst(%arg9 : memref<128xi32, #tpu.memory_space<vmem>>)
        tpu.yield
      }) : () -> ()
      %add3A_136 = arith.constant 2 : i32
      %add3A_137 = arith.addi %add3A_119, %add3A_136 : i32
      %lt3A_138 = arith.constant 78 : i32
      %lt3A_139 = arith.cmpi slt, %add3A_137, %lt3A_138 : i32
      %convert_element_type3A_140 = arith.extui %lt3A_139 : i1 to i32
      %cond3A_141 = arith.constant 0 : i32
      %cond3A_142 = arith.cmpi ne, %convert_element_type3A_140, %cond3A_141 : i32
      scf.if %cond3A_142 {
        %add3A_143 = arith.addi %mul3A_51, %add3A_119 : i32
        %add3A_144 = arith.constant 2 : i32
        %add3A_145 = arith.addi %add3A_143, %add3A_144 : i32
        %mul3A_146 = arith.constant 128 : i32
        %mul3A_147 = arith.muli %add3A_145, %mul3A_146 : i32
        %dma_start3A_148 = arith.constant 0 : i32
        %dma_start3A_149 = tpu.memref_slice %arg2[%mul3A_147, %dma_start3A_148] : memref<320000x128xf32, #tpu.memory_space<hbm>> -> memref<128x128xf32, #tpu.memory_space<hbm>>
        %dma_start3A_150 = arith.constant 0 : i32
        %dma_start3A_151 = tpu.memref_slice %arg2[%mul3A_147, %dma_start3A_150] : memref<320000x128xf32, #tpu.memory_space<hbm>> -> memref<128x128xf32, #tpu.memory_space<hbm>>
        tpu.enqueue_dma source(%dma_start3A_151 : memref<128x128xf32, #tpu.memory_space<hbm>>) target(%arg11 : memref<128x128xf32, #tpu.memory_space<vmem>>) target_semaphore(%arg16 : memref<!tpu.dma_semaphore, #tpu.memory_space<semaphore_mem>>)
      } else {
      }
    }
    %scan3A_74 = arith.constant 39 : i32
    %lt3A = arith.constant 4 : i32
    %lt3A_75 = arith.cmpi slt, %add3A, %lt3A : i32
    %convert_element_type3A = arith.extui %lt3A_75 : i1 to i32
    %cond3A = arith.constant 0 : i32
    %cond3A_76 = arith.cmpi ne, %convert_element_type3A, %cond3A : i32
    scf.if %cond3A_76 {
      %add3A_85 = arith.constant 2496 : i32
      %add3A_86 = arith.addi %add3A_85, %add3A : i32
      "tpu.region"() ({
        %run_scoped3A = tpu.sem_alloc : memref<!tpu.dma_semaphore, #tpu.memory_space<semaphore_mem>>
        %dma_start3A_95 = arith.constant 0 : i32
        %dma_start3A_96 = tpu.memref_slice %arg3[%add3A_86, %dma_start3A_95] : memref<2500x128xi32, #tpu.memory_space<hbm>> -> memref<1x128xi32, #tpu.memory_space<hbm>>
        %dma_start3A_97 = tpu.memref_squeeze %dma_start3A_96 : memref<1x128xi32, #tpu.memory_space<hbm>> -> memref<128xi32, #tpu.memory_space<hbm>>
        %dma_start3A_98 = arith.constant 0 : i32
        %dma_start3A_99 = tpu.memref_slice %arg3[%add3A_86, %dma_start3A_98] : memref<2500x128xi32, #tpu.memory_space<hbm>> -> memref<1x128xi32, #tpu.memory_space<hbm>>
        %dma_start3A_100 = tpu.memref_squeeze %dma_start3A_99 : memref<1x128xi32, #tpu.memory_space<hbm>> -> memref<128xi32, #tpu.memory_space<hbm>>
        tpu.enqueue_dma source(%dma_start3A_100 : memref<128xi32, #tpu.memory_space<hbm>>) target(%arg8 : memref<128xi32, #tpu.memory_space<vmem>>) target_semaphore(%run_scoped3A : memref<!tpu.dma_semaphore, #tpu.memory_space<semaphore_mem>>)
        %dma_wait3A = arith.constant 0 : i32
        %dma_wait3A_101 = tpu.memref_slice %arg3[%add3A_86, %dma_wait3A] : memref<2500x128xi32, #tpu.memory_space<hbm>> -> memref<1x128xi32, #tpu.memory_space<hbm>>
        %dma_wait3A_102 = tpu.memref_squeeze %dma_wait3A_101 : memref<1x128xi32, #tpu.memory_space<hbm>> -> memref<128xi32, #tpu.memory_space<hbm>>
        %dma_wait3A_103 = arith.constant 0 : i32
        %dma_wait3A_104 = tpu.memref_slice %arg3[%add3A_86, %dma_wait3A_103] : memref<2500x128xi32, #tpu.memory_space<hbm>> -> memref<1x128xi32, #tpu.memory_space<hbm>>
        %dma_wait3A_105 = tpu.memref_squeeze %dma_wait3A_104 : memref<1x128xi32, #tpu.memory_space<hbm>> -> memref<128xi32, #tpu.memory_space<hbm>>
        tpu.wait_dma2 semaphore(%run_scoped3A : memref<!tpu.dma_semaphore, #tpu.memory_space<semaphore_mem>>) src(%dma_wait3A_105 : memref<128xi32, #tpu.memory_space<hbm>>) dst(%arg8 : memref<128xi32, #tpu.memory_space<vmem>>)
        tpu.yield
      }) : () -> ()
      %mul3A_87 = arith.constant 128 : i32
      %mul3A_88 = arith.muli %add3A_86, %mul3A_87 : i32
      "tpu.region"() ({
        %run_scoped3A = tpu.sem_alloc : memref<!tpu.dma_semaphore, #tpu.memory_space<semaphore_mem>>
        %dma_start3A_95 = arith.constant 0 : i32
        %dma_start3A_96 = tpu.memref_slice %arg2[%mul3A_88, %dma_start3A_95] : memref<320000x128xf32, #tpu.memory_space<hbm>> -> memref<128x128xf32, #tpu.memory_space<hbm>>
        %dma_start3A_97 = arith.constant 0 : i32
        %dma_start3A_98 = tpu.memref_slice %arg2[%mul3A_88, %dma_start3A_97] : memref<320000x128xf32, #tpu.memory_space<hbm>> -> memref<128x128xf32, #tpu.memory_space<hbm>>
        tpu.enqueue_dma source(%dma_start3A_98 : memref<128x128xf32, #tpu.memory_space<hbm>>) target(%arg10 : memref<128x128xf32, #tpu.memory_space<vmem>>) target_semaphore(%run_scoped3A : memref<!tpu.dma_semaphore, #tpu.memory_space<semaphore_mem>>)
        %dma_wait3A = arith.constant 0 : i32
        %dma_wait3A_99 = tpu.memref_slice %arg2[%mul3A_88, %dma_wait3A] : memref<320000x128xf32, #tpu.memory_space<hbm>> -> memref<128x128xf32, #tpu.memory_space<hbm>>
        %dma_wait3A_100 = arith.constant 0 : i32
        %dma_wait3A_101 = tpu.memref_slice %arg2[%mul3A_88, %dma_wait3A_100] : memref<320000x128xf32, #tpu.memory_space<hbm>> -> memref<128x128xf32, #tpu.memory_space<hbm>>
        tpu.wait_dma2 semaphore(%run_scoped3A : memref<!tpu.dma_semaphore, #tpu.memory_space<semaphore_mem>>) src(%dma_wait3A_101 : memref<128x128xf32, #tpu.memory_space<hbm>>) dst(%arg10 : memref<128x128xf32, #tpu.memory_space<vmem>>)
        tpu.yield
      }) : () -> ()
      %scan3A_89 = arith.constant 0 : i32
      %scan3A_90 = arith.constant 0 : i32
      %scan3A_91 = arith.constant 128 : i32
      %scan3A_92 = arith.addi %scan3A_90, %scan3A_91 : i32
      %scan3A_93 = arith.constant 1 : i32
      scf.for %scan3A_95 = %scan3A_90 to %scan3A_92 step %scan3A_93  : i32 {
        %get3A_96 = arith.index_cast %scan3A_95 : i32 to index
        %get3A_97 = arith.constant 0 : index
        %get3A_98 = tpu.vector_load %arg10[%get3A_96, %get3A_97] {strides = array<i32>} : memref<128x128xf32, #tpu.memory_space<vmem>>, vector<1x16xf32>,
        %get3A_99 = vector.shape_cast %get3A_98 : vector<1x16xf32> to vector<16xf32>
        %mul3A_100 = arith.mulf %get3A_99, %get3A_4 : vector<16xf32>
        %add3A_101 = arith.addf %mul3A_100, %get3A_28 : vector<16xf32>
        %max3A = arith.constant 0.000000e+00 : f32
        %max3A_102 = vector.broadcast %max3A : f32 to vector<16xf32>
        %max3A_103 = arith.maximumf %add3A_101, %max3A_102 : vector<16xf32>
        %swap3A = arith.index_cast %scan3A_95 : i32 to index
        %swap3A_104 = arith.constant 0 : index
        %swap3A_105 = tpu.vector_load %arg10[%swap3A, %swap3A_104] {strides = array<i32>} : memref<128x128xf32, #tpu.memory_space<vmem>>, vector<1x16xf32>,
        %swap3A_106 = vector.shape_cast %swap3A_105 : vector<1x16xf32> to vector<16xf32>
        %swap3A_107 = vector.shape_cast %max3A_103 : vector<16xf32> to vector<1x16xf32>
        tpu.vector_store %arg10[%swap3A, %swap3A_104], %swap3A_107 {strides = array<i32>} : memref<128x128xf32, #tpu.memory_space<vmem>>, vector<1x16xf32>,
        %get3A_108 = arith.index_cast %scan3A_95 : i32 to index
        %get3A_109 = arith.constant 16 : index
        %get3A_110 = tpu.vector_load %arg10[%get3A_108, %get3A_109] {strides = array<i32>} : memref<128x128xf32, #tpu.memory_space<vmem>>, vector<1x16xf32>,
        %get3A_111 = vector.shape_cast %get3A_110 : vector<1x16xf32> to vector<16xf32>
        %mul3A_112 = arith.mulf %get3A_111, %get3A_7 : vector<16xf32>
        %add3A_113 = arith.addf %mul3A_112, %get3A_31 : vector<16xf32>
        %max3A_114 = arith.constant 0.000000e+00 : f32
        %max3A_115 = vector.broadcast %max3A_114 : f32 to vector<16xf32>
        %max3A_116 = arith.maximumf %add3A_113, %max3A_115 : vector<16xf32>
        %swap3A_117 = arith.index_cast %scan3A_95 : i32 to index
        %swap3A_118 = arith.constant 16 : index
        %swap3A_119 = tpu.vector_load %arg10[%swap3A_117, %swap3A_118] {strides = array<i32>} : memref<128x128xf32, #tpu.memory_space<vmem>>, vector<1x16xf32>,
        %swap3A_120 = vector.shape_cast %swap3A_119 : vector<1x16xf32> to vector<16xf32>
        %swap3A_121 = vector.shape_cast %max3A_116 : vector<16xf32> to vector<1x16xf32>
        tpu.vector_store %arg10[%swap3A_117, %swap3A_118], %swap3A_121 {strides = array<i32>} : memref<128x128xf32, #tpu.memory_space<vmem>>, vector<1x16xf32>,
        %get3A_122 = arith.index_cast %scan3A_95 : i32 to index
        %get3A_123 = arith.constant 32 : index
        %get3A_124 = tpu.vector_load %arg10[%get3A_122, %get3A_123] {strides = array<i32>} : memref<128x128xf32, #tpu.memory_space<vmem>>, vector<1x16xf32>,
        %get3A_125 = vector.shape_cast %get3A_124 : vector<1x16xf32> to vector<16xf32>
        %mul3A_126 = arith.mulf %get3A_125, %get3A_10 : vector<16xf32>
        %add3A_127 = arith.addf %mul3A_126, %get3A_34 : vector<16xf32>
        %max3A_128 = arith.constant 0.000000e+00 : f32
        %max3A_129 = vector.broadcast %max3A_128 : f32 to vector<16xf32>
        %max3A_130 = arith.maximumf %add3A_127, %max3A_129 : vector<16xf32>
        %swap3A_131 = arith.index_cast %scan3A_95 : i32 to index
        %swap3A_132 = arith.constant 32 : index
        %swap3A_133 = tpu.vector_load %arg10[%swap3A_131, %swap3A_132] {strides = array<i32>} : memref<128x128xf32, #tpu.memory_space<vmem>>, vector<1x16xf32>,
        %swap3A_134 = vector.shape_cast %swap3A_133 : vector<1x16xf32> to vector<16xf32>
        %swap3A_135 = vector.shape_cast %max3A_130 : vector<16xf32> to vector<1x16xf32>
        tpu.vector_store %arg10[%swap3A_131, %swap3A_132], %swap3A_135 {strides = array<i32>} : memref<128x128xf32, #tpu.memory_space<vmem>>, vector<1x16xf32>,
        %get3A_136 = arith.index_cast %scan3A_95 : i32 to index
        %get3A_137 = arith.constant 48 : index
        %get3A_138 = tpu.vector_load %arg10[%get3A_136, %get3A_137] {strides = array<i32>} : memref<128x128xf32, #tpu.memory_space<vmem>>, vector<1x16xf32>,
        %get3A_139 = vector.shape_cast %get3A_138 : vector<1x16xf32> to vector<16xf32>
        %mul3A_140 = arith.mulf %get3A_139, %get3A_13 : vector<16xf32>
        %add3A_141 = arith.addf %mul3A_140, %get3A_37 : vector<16xf32>
        %max3A_142 = arith.constant 0.000000e+00 : f32
        %max3A_143 = vector.broadcast %max3A_142 : f32 to vector<16xf32>
        %max3A_144 = arith.maximumf %add3A_141, %max3A_143 : vector<16xf32>
        %swap3A_145 = arith.index_cast %scan3A_95 : i32 to index
        %swap3A_146 = arith.constant 48 : index
        %swap3A_147 = tpu.vector_load %arg10[%swap3A_145, %swap3A_146] {strides = array<i32>} : memref<128x128xf32, #tpu.memory_space<vmem>>, vector<1x16xf32>,
        %swap3A_148 = vector.shape_cast %swap3A_147 : vector<1x16xf32> to vector<16xf32>
        %swap3A_149 = vector.shape_cast %max3A_144 : vector<16xf32> to vector<1x16xf32>
        tpu.vector_store %arg10[%swap3A_145, %swap3A_146], %swap3A_149 {strides = array<i32>} : memref<128x128xf32, #tpu.memory_space<vmem>>, vector<1x16xf32>,
        %get3A_150 = arith.index_cast %scan3A_95 : i32 to index
        %get3A_151 = arith.constant 64 : index
        %get3A_152 = tpu.vector_load %arg10[%get3A_150, %get3A_151] {strides = array<i32>} : memref<128x128xf32, #tpu.memory_space<vmem>>, vector<1x16xf32>,
        %get3A_153 = vector.shape_cast %get3A_152 : vector<1x16xf32> to vector<16xf32>
        %mul3A_154 = arith.mulf %get3A_153, %get3A_16 : vector<16xf32>
        %add3A_155 = arith.addf %mul3A_154, %get3A_40 : vector<16xf32>
        %max3A_156 = arith.constant 0.000000e+00 : f32
        %max3A_157 = vector.broadcast %max3A_156 : f32 to vector<16xf32>
        %max3A_158 = arith.maximumf %add3A_155, %max3A_157 : vector<16xf32>
        %swap3A_159 = arith.index_cast %scan3A_95 : i32 to index
        %swap3A_160 = arith.constant 64 : index
        %swap3A_161 = tpu.vector_load %arg10[%swap3A_159, %swap3A_160] {strides = array<i32>} : memref<128x128xf32, #tpu.memory_space<vmem>>, vector<1x16xf32>,
        %swap3A_162 = vector.shape_cast %swap3A_161 : vector<1x16xf32> to vector<16xf32>
        %swap3A_163 = vector.shape_cast %max3A_158 : vector<16xf32> to vector<1x16xf32>
        tpu.vector_store %arg10[%swap3A_159, %swap3A_160], %swap3A_163 {strides = array<i32>} : memref<128x128xf32, #tpu.memory_space<vmem>>, vector<1x16xf32>,
        %get3A_164 = arith.index_cast %scan3A_95 : i32 to index
        %get3A_165 = arith.constant 80 : index
        %get3A_166 = tpu.vector_load %arg10[%get3A_164, %get3A_165] {strides = array<i32>} : memref<128x128xf32, #tpu.memory_space<vmem>>, vector<1x16xf32>,
        %get3A_167 = vector.shape_cast %get3A_166 : vector<1x16xf32> to vector<16xf32>
        %mul3A_168 = arith.mulf %get3A_167, %get3A_19 : vector<16xf32>
        %add3A_169 = arith.addf %mul3A_168, %get3A_43 : vector<16xf32>
        %max3A_170 = arith.constant 0.000000e+00 : f32
        %max3A_171 = vector.broadcast %max3A_170 : f32 to vector<16xf32>
        %max3A_172 = arith.maximumf %add3A_169, %max3A_171 : vector<16xf32>
        %swap3A_173 = arith.index_cast %scan3A_95 : i32 to index
        %swap3A_174 = arith.constant 80 : index
        %swap3A_175 = tpu.vector_load %arg10[%swap3A_173, %swap3A_174] {strides = array<i32>} : memref<128x128xf32, #tpu.memory_space<vmem>>, vector<1x16xf32>,
        %swap3A_176 = vector.shape_cast %swap3A_175 : vector<1x16xf32> to vector<16xf32>
        %swap3A_177 = vector.shape_cast %max3A_172 : vector<16xf32> to vector<1x16xf32>
        tpu.vector_store %arg10[%swap3A_173, %swap3A_174], %swap3A_177 {strides = array<i32>} : memref<128x128xf32, #tpu.memory_space<vmem>>, vector<1x16xf32>,
        %get3A_178 = arith.index_cast %scan3A_95 : i32 to index
        %get3A_179 = arith.constant 96 : index
        %get3A_180 = tpu.vector_load %arg10[%get3A_178, %get3A_179] {strides = array<i32>} : memref<128x128xf32, #tpu.memory_space<vmem>>, vector<1x16xf32>,
        %get3A_181 = vector.shape_cast %get3A_180 : vector<1x16xf32> to vector<16xf32>
        %mul3A_182 = arith.mulf %get3A_181, %get3A_22 : vector<16xf32>
        %add3A_183 = arith.addf %mul3A_182, %get3A_46 : vector<16xf32>
        %max3A_184 = arith.constant 0.000000e+00 : f32
        %max3A_185 = vector.broadcast %max3A_184 : f32 to vector<16xf32>
        %max3A_186 = arith.maximumf %add3A_183, %max3A_185 : vector<16xf32>
        %swap3A_187 = arith.index_cast %scan3A_95 : i32 to index
        %swap3A_188 = arith.constant 96 : index
        %swap3A_189 = tpu.vector_load %arg10[%swap3A_187, %swap3A_188] {strides = array<i32>} : memref<128x128xf32, #tpu.memory_space<vmem>>, vector<1x16xf32>,
        %swap3A_190 = vector.shape_cast %swap3A_189 : vector<1x16xf32> to vector<16xf32>
        %swap3A_191 = vector.shape_cast %max3A_186 : vector<16xf32> to vector<1x16xf32>
        tpu.vector_store %arg10[%swap3A_187, %swap3A_188], %swap3A_191 {strides = array<i32>} : memref<128x128xf32, #tpu.memory_space<vmem>>, vector<1x16xf32>,
        %get3A_192 = arith.index_cast %scan3A_95 : i32 to index
        %get3A_193 = arith.constant 112 : index
        %get3A_194 = tpu.vector_load %arg10[%get3A_192, %get3A_193] {strides = array<i32>} : memref<128x128xf32, #tpu.memory_space<vmem>>, vector<1x16xf32>,
        %get3A_195 = vector.shape_cast %get3A_194 : vector<1x16xf32> to vector<16xf32>
        %mul3A_196 = arith.mulf %get3A_195, %get3A_25 : vector<16xf32>
        %add3A_197 = arith.addf %mul3A_196, %get3A_49 : vector<16xf32>
        %max3A_198 = arith.constant 0.000000e+00 : f32
        %max3A_199 = vector.broadcast %max3A_198 : f32 to vector<16xf32>
        %max3A_200 = arith.maximumf %add3A_197, %max3A_199 : vector<16xf32>
        %swap3A_201 = arith.index_cast %scan3A_95 : i32 to index
        %swap3A_202 = arith.constant 112 : index
        %swap3A_203 = tpu.vector_load %arg10[%swap3A_201, %swap3A_202] {strides = array<i32>} : memref<128x128xf32, #tpu.memory_space<vmem>>, vector<1x16xf32>,
        %swap3A_204 = vector.shape_cast %swap3A_203 : vector<1x16xf32> to vector<16xf32>
        %swap3A_205 = vector.shape_cast %max3A_200 : vector<16xf32> to vector<1x16xf32>
        tpu.vector_store %arg10[%swap3A_201, %swap3A_202], %swap3A_205 {strides = array<i32>} : memref<128x128xf32, #tpu.memory_space<vmem>>, vector<1x16xf32>,
      }
      %scan3A_94 = arith.constant 128 : i32
      "tpu.region"() ({
        %run_scoped3A = tpu.sem_alloc : memref<!tpu.dma_semaphore, #tpu.memory_space<semaphore_mem>>
        %dma_start3A_95 = arith.constant 0 : i32
        %dma_start3A_96 = arith.constant 0 : i32
        %dma_start3A_97 = tpu.memref_slice %arg14[%dma_start3A_95, %dma_start3A_96] : memref<10112x128xf32, #tpu.memory_space<vmem_shared>> -> memref<10112x128xf32, #tpu.memory_space<vmem_shared>>
        tpu.enqueue_indirect_dma source(%arg10 : memref<128x128xf32, #tpu.memory_space<vmem>>) target(%dma_start3A_97 : memref<10112x128xf32, #tpu.memory_space<vmem_shared>>) offsets(%arg8 : memref<128xi32, #tpu.memory_space<vmem>>) semaphore(%run_scoped3A : memref<!tpu.dma_semaphore, #tpu.memory_space<semaphore_mem>>) {add = true}
        %dma_wait3A = arith.constant 0 : i32
        %dma_wait3A_98 = arith.constant 0 : i32
        %dma_wait3A_99 = tpu.memref_slice %arg14[%dma_wait3A, %dma_wait3A_98] : memref<10112x128xf32, #tpu.memory_space<vmem_shared>> -> memref<10112x128xf32, #tpu.memory_space<vmem_shared>>
        tpu.wait_indirect_dma semaphore(%run_scoped3A : memref<!tpu.dma_semaphore, #tpu.memory_space<semaphore_mem>>) src(%arg10 : memref<128x128xf32, #tpu.memory_space<vmem>>) dst(%dma_wait3A_99 : memref<10112x128xf32, #tpu.memory_space<vmem_shared>>)
        tpu.yield
      }) : () -> ()
    } else {
    }
    %barrier3A_77 = arith.constant 0 : index
    tpu.barrier barrier_id(%barrier3A_77)
    %mul3A_78 = arith.constant 632 : i32
    %mul3A_79 = arith.muli %arg1, %mul3A_78 : i32
    %mul3A_80 = arith.constant 10112 : i32
    %mul3A_81 = arith.muli %arg0, %mul3A_80 : i32
    %mul3A_82 = arith.constant 632 : i32
    %mul3A_83 = arith.muli %arg1, %mul3A_82 : i32
    %add3A_84 = arith.addi %mul3A_81, %mul3A_83 : i32
    "tpu.region"() ({
      %run_scoped3A = tpu.sem_alloc : memref<!tpu.dma_semaphore, #tpu.memory_space<semaphore_mem>>
      %dma_start3A_85 = arith.constant 0 : i32
      %dma_start3A_86 = tpu.memref_slice %arg7[%add3A_84, %dma_start3A_85] : memref<20224x128xf32, #tpu.memory_space<hbm>> -> memref<632x128xf32, #tpu.memory_space<hbm>>
      %dma_start3A_87 = arith.constant 0 : i32
      %dma_start3A_88 = tpu.memref_slice %arg14[%mul3A_79, %dma_start3A_87] : memref<10112x128xf32, #tpu.memory_space<vmem_shared>> -> memref<632x128xf32, #tpu.memory_space<vmem_shared>>
      tpu.enqueue_dma source(%dma_start3A_88 : memref<632x128xf32, #tpu.memory_space<vmem_shared>>) target(%dma_start3A_86 : memref<632x128xf32, #tpu.memory_space<hbm>>) target_semaphore(%run_scoped3A : memref<!tpu.dma_semaphore, #tpu.memory_space<semaphore_mem>>)
      %dma_wait3A = arith.constant 0 : i32
      %dma_wait3A_89 = tpu.memref_slice %arg7[%add3A_84, %dma_wait3A] : memref<20224x128xf32, #tpu.memory_space<hbm>> -> memref<632x128xf32, #tpu.memory_space<hbm>>
      %dma_wait3A_90 = arith.constant 0 : i32
      %dma_wait3A_91 = tpu.memref_slice %arg14[%mul3A_79, %dma_wait3A_90] : memref<10112x128xf32, #tpu.memory_space<vmem_shared>> -> memref<632x128xf32, #tpu.memory_space<vmem_shared>>
      tpu.wait_dma2 semaphore(%run_scoped3A : memref<!tpu.dma_semaphore, #tpu.memory_space<semaphore_mem>>) src(%dma_wait3A_91 : memref<632x128xf32, #tpu.memory_space<vmem_shared>>) dst(%dma_wait3A_89 : memref<632x128xf32, #tpu.memory_space<hbm>>)
      tpu.yield
    }) : () -> ()
    return
  }
}

module attributes {stable_mosaic.version = 14 : i64} {
  func.func @body(%arg0: i32, %arg1: memref<3200x128xf32, #tpu.memory_space<vmem>>, %arg2: memref<3200x64xf32, #tpu.memory_space<vmem>>, %arg3: memref<128x256xf32, #tpu.memory_space<vmem>>, %arg4: memref<1x256xf32, #tpu.memory_space<vmem>>, %arg5: memref<1x256xf32, #tpu.memory_space<vmem>>, %arg6: memref<128x256xf32, #tpu.memory_space<vmem>>, %arg7: memref<1x256xf32, #tpu.memory_space<vmem>>, %arg8: memref<128x128xf32, #tpu.memory_space<vmem>>, %arg9: memref<1x128xf32, #tpu.memory_space<vmem>>) attributes {dimension_semantics = [#tpu.dimension_semantics<arbitrary>], iteration_bounds = array<i64: 100>, scalar_prefetch = 0 : i64, scratch_operands = 2 : i64, tpu.core_type = #tpu.core_type<tc>, window_params = [{transform_indices = @transform_0, window_bounds = array<i64: 3200, 128>}, {transform_indices = @transform_1, window_bounds = array<i64: 3200, 64>}, {pipeline_mode = #tpu.pipeline_mode<synchronous>, transform_indices = @transform_2, window_bounds = array<i64: 128, 256>}, {pipeline_mode = #tpu.pipeline_mode<synchronous>, transform_indices = @transform_3, window_bounds = array<i64: 1, 256>}, {pipeline_mode = #tpu.pipeline_mode<synchronous>, transform_indices = @transform_4, window_bounds = array<i64: 1, 256>}, {pipeline_mode = #tpu.pipeline_mode<synchronous>, transform_indices = @transform_5, window_bounds = array<i64: 128, 256>}, {pipeline_mode = #tpu.pipeline_mode<synchronous>, transform_indices = @transform_6, window_bounds = array<i64: 1, 256>}]} {
    %eq3A = arith.constant 0 : i32
    %eq3A_0 = arith.cmpi eq, %arg0, %eq3A : i32
    %convert_element_type3A = arith.extui %eq3A_0 : i1 to i32
    %cond3A = arith.constant 0 : i32
    %cond3A_1 = arith.cmpi ne, %convert_element_type3A, %cond3A : i32
    scf.if %cond3A_1 {
      %broadcast_in_dim3A_26 = arith.constant 0.000000e+00 : f32
      %broadcast_in_dim3A_27 = vector.broadcast %broadcast_in_dim3A_26 : f32 to vector<128x128xf32>
      %swap3A_28 = arith.constant 0 : index
      %swap3A_29 = arith.constant 0 : index
      %swap3A_30 = vector.load %arg8[%swap3A_28, %swap3A_29] : memref<128x128xf32, #tpu.memory_space<vmem>>, vector<128x128xf32>
      tpu.vector_store %arg8[%swap3A_28, %swap3A_29], %broadcast_in_dim3A_27 {strides = array<i32>} : memref<128x128xf32, #tpu.memory_space<vmem>>, vector<128x128xf32>,
      %broadcast_in_dim3A_31 = arith.constant 0.000000e+00 : f32
      %broadcast_in_dim3A_32 = vector.broadcast %broadcast_in_dim3A_31 : f32 to vector<1x128xf32>
      %swap3A_33 = arith.constant 0 : index
      %swap3A_34 = arith.constant 0 : index
      %swap3A_35 = vector.load %arg9[%swap3A_33, %swap3A_34] : memref<1x128xf32, #tpu.memory_space<vmem>>, vector<1x128xf32>
      tpu.vector_store %arg9[%swap3A_33, %swap3A_34], %broadcast_in_dim3A_32 {strides = array<i32>} : memref<1x128xf32, #tpu.memory_space<vmem>>, vector<1x128xf32>,
    } else {
    }
    %get3A = arith.constant 0 : index
    %get3A_2 = arith.constant 0 : index
    %get3A_3 = vector.load %arg1[%get3A, %get3A_2] : memref<3200x128xf32, #tpu.memory_space<vmem>>, vector<3200x128xf32>
    %slice3A = vector.extract_strided_slice %get3A_3 {offsets = [0, 0], sizes = [3200, 64], strides = [1, 1]} : vector<3200x128xf32> to vector<3200x64xf32>
    %get3A_4 = arith.constant 0 : index
    %get3A_5 = arith.constant 0 : index
    %get3A_6 = vector.load %arg2[%get3A_4, %get3A_5] : memref<3200x64xf32, #tpu.memory_space<vmem>>, vector<3200x64xf32>
    %concatenate3A = tpu.concatenate %slice3A, %get3A_6 in 1 : vector<3200x64xf32>, vector<3200x64xf32> -> vector<3200x128xf32>
    %get3A_7 = arith.constant 0 : index
    %get3A_8 = arith.constant 0 : index
    %get3A_9 = vector.load %arg8[%get3A_7, %get3A_8] : memref<128x128xf32, #tpu.memory_space<vmem>>, vector<128x128xf32>
    %dot_general3A = arith.constant dense<0.000000e+00> : vector<128x128xf32>
    %dot_general3A_10 = tpu.matmul %concatenate3A, %concatenate3A, %dot_general3A {dimension_numbers = #tpu.dot_dimension_numbers<[0], [0], [1], [1], [0, 1, 1, 1], [], []>, transpose_lhs_hint = false} : vector<3200x128xf32>, vector<3200x128xf32>, vector<128x128xf32> -> vector<128x128xf32>
    %add3A = arith.addf %get3A_9, %dot_general3A_10 : vector<128x128xf32>
    %swap3A = arith.constant 0 : index
    %swap3A_11 = arith.constant 0 : index
    %swap3A_12 = vector.load %arg8[%swap3A, %swap3A_11] : memref<128x128xf32, #tpu.memory_space<vmem>>, vector<128x128xf32>
    tpu.vector_store %arg8[%swap3A, %swap3A_11], %add3A {strides = array<i32>} : memref<128x128xf32, #tpu.memory_space<vmem>>, vector<128x128xf32>,
    %get3A_13 = arith.constant 0 : index
    %get3A_14 = arith.constant 0 : index
    %get3A_15 = vector.load %arg9[%get3A_13, %get3A_14] : memref<1x128xf32, #tpu.memory_space<vmem>>, vector<1x128xf32>
    %reduce_sum3A = arith.constant dense<0.000000e+00> : vector<128xf32>
    %reduce_sum3A_16 = vector.multi_reduction <add>, %concatenate3A, %reduce_sum3A [0] : vector<3200x128xf32> to vector<128xf32>
    %broadcast_in_dim3A = vector.shape_cast %reduce_sum3A_16 : vector<128xf32> to vector<1x128xf32>
    %add3A_17 = arith.addf %get3A_15, %broadcast_in_dim3A : vector<1x128xf32>
    %swap3A_18 = arith.constant 0 : index
    %swap3A_19 = arith.constant 0 : index
    %swap3A_20 = vector.load %arg9[%swap3A_18, %swap3A_19] : memref<1x128xf32, #tpu.memory_space<vmem>>, vector<1x128xf32>
    tpu.vector_store %arg9[%swap3A_18, %swap3A_19], %add3A_17 {strides = array<i32>} : memref<1x128xf32, #tpu.memory_space<vmem>>, vector<1x128xf32>,
    %eq3A_21 = arith.constant 99 : i32
    %eq3A_22 = arith.cmpi eq, %arg0, %eq3A_21 : i32
    %convert_element_type3A_23 = arith.extui %eq3A_22 : i1 to i32
    %cond3A_24 = arith.constant 0 : i32
    %cond3A_25 = arith.cmpi ne, %convert_element_type3A_23, %cond3A_24 : i32
    scf.if %cond3A_25 {
      %get3A_26 = arith.constant 0 : index
      %get3A_27 = arith.constant 0 : index
      %get3A_28 = vector.load %arg3[%get3A_26, %get3A_27] : memref<128x256xf32, #tpu.memory_space<vmem>>, vector<128x256xf32>
      %get3A_29 = arith.constant 0 : index
      %get3A_30 = arith.constant 0 : index
      %get3A_31 = vector.load %arg9[%get3A_29, %get3A_30] : memref<1x128xf32, #tpu.memory_space<vmem>>, vector<1x128xf32>
      %dot_general3A_32 = arith.constant dense<0.000000e+00> : vector<1x256xf32>
      %dot_general3A_33 = tpu.matmul %get3A_31, %get3A_28, %dot_general3A_32 {dimension_numbers = #tpu.dot_dimension_numbers<[1], [0], [0], [1], [0, 0, 1, 1], [], []>, transpose_lhs_hint = false} : vector<1x128xf32>, vector<128x256xf32>, vector<1x256xf32> -> vector<1x256xf32>
      %div3A = arith.constant 3.200000e+05 : f32
      %div3A_34 = vector.broadcast %div3A : f32 to vector<1x256xf32>
      %div3A_35 = arith.divf %dot_general3A_33, %div3A_34 : vector<1x256xf32>
      %get3A_36 = arith.constant 0 : index
      %get3A_37 = arith.constant 0 : index
      %get3A_38 = vector.load %arg8[%get3A_36, %get3A_37] : memref<128x128xf32, #tpu.memory_space<vmem>>, vector<128x128xf32>
      %dot_general3A_39 = arith.constant dense<0.000000e+00> : vector<128x256xf32>
      %dot_general3A_40 = tpu.matmul %get3A_38, %get3A_28, %dot_general3A_39 {dimension_numbers = #tpu.dot_dimension_numbers<[1], [0], [0], [1], [0, 0, 1, 1], [], []>, transpose_lhs_hint = false} : vector<128x128xf32>, vector<128x256xf32>, vector<128x256xf32> -> vector<128x256xf32>
      %mul3A = arith.mulf %get3A_28, %dot_general3A_40 : vector<128x256xf32>
      %reduce_sum3A_41 = arith.constant dense<0.000000e+00> : vector<256xf32>
      %reduce_sum3A_42 = vector.multi_reduction <add>, %mul3A, %reduce_sum3A_41 [0] : vector<128x256xf32> to vector<256xf32>
      %broadcast_in_dim3A_43 = vector.shape_cast %reduce_sum3A_42 : vector<256xf32> to vector<1x256xf32>
      %div3A_44 = arith.constant 3.200000e+05 : f32
      %div3A_45 = vector.broadcast %div3A_44 : f32 to vector<1x256xf32>
      %div3A_46 = arith.divf %broadcast_in_dim3A_43, %div3A_45 : vector<1x256xf32>
      %mul3A_47 = arith.mulf %div3A_35, %div3A_35 : vector<1x256xf32>
      %sub3A = arith.subf %div3A_46, %mul3A_47 : vector<1x256xf32>
      %get3A_48 = arith.constant 0 : index
      %get3A_49 = arith.constant 0 : index
      %get3A_50 = vector.load %arg4[%get3A_48, %get3A_49] : memref<1x256xf32, #tpu.memory_space<vmem>>, vector<1x256xf32>
      %add3A_51 = arith.constant 9.99999974E-6 : f32
      %add3A_52 = vector.broadcast %add3A_51 : f32 to vector<1x256xf32>
      %add3A_53 = arith.addf %sub3A, %add3A_52 : vector<1x256xf32>
      %rsqrt3A = math.rsqrt %add3A_53 : vector<1x256xf32>
      %mul3A_54 = arith.mulf %get3A_50, %rsqrt3A : vector<1x256xf32>
      %get3A_55 = arith.constant 0 : index
      %get3A_56 = arith.constant 0 : index
      %get3A_57 = vector.load %arg5[%get3A_55, %get3A_56] : memref<1x256xf32, #tpu.memory_space<vmem>>, vector<1x256xf32>
      %mul3A_58 = arith.mulf %div3A_35, %mul3A_54 : vector<1x256xf32>
      %sub3A_59 = arith.subf %get3A_57, %mul3A_58 : vector<1x256xf32>
      %swap3A_60 = arith.constant 0 : index
      %swap3A_61 = arith.constant 0 : index
      %swap3A_62 = vector.load %arg7[%swap3A_60, %swap3A_61] : memref<1x256xf32, #tpu.memory_space<vmem>>, vector<1x256xf32>
      tpu.vector_store %arg7[%swap3A_60, %swap3A_61], %sub3A_59 {strides = array<i32>} : memref<1x256xf32, #tpu.memory_space<vmem>>, vector<1x256xf32>,
      %mul3A_63 = vector.broadcast %mul3A_54 : vector<1x256xf32> to vector<128x256xf32>
      %mul3A_64 = arith.mulf %get3A_28, %mul3A_63 : vector<128x256xf32>
      %swap3A_65 = arith.constant 0 : index
      %swap3A_66 = arith.constant 0 : index
      %swap3A_67 = vector.load %arg6[%swap3A_65, %swap3A_66] : memref<128x256xf32, #tpu.memory_space<vmem>>, vector<128x256xf32>
      tpu.vector_store %arg6[%swap3A_65, %swap3A_66], %mul3A_64 {strides = array<i32>} : memref<128x256xf32, #tpu.memory_space<vmem>>, vector<128x256xf32>,
    } else {
    }
    return
  }
  func.func @transform_0(%arg0: i32) -> (i32, i32) {
    %c0_i32 = arith.constant 0 : i32
    %c0_i32_0 = arith.constant 0 : i32
    return %arg0, %c0_i32 : i32, i32
  }
  func.func @transform_1(%arg0: i32) -> (i32, i32) {
    %c0_i32 = arith.constant 0 : i32
    %c0_i32_0 = arith.constant 0 : i32
    return %arg0, %c0_i32 : i32, i32
  }
  func.func @transform_2(%arg0: i32) -> (i32, i32) {
    %c0_i32 = arith.constant 0 : i32
    %c0_i32_0 = arith.constant 0 : i32
    %c0_i32_1 = arith.constant 0 : i32
    return %c0_i32, %c0_i32_0 : i32, i32
  }
  func.func @transform_3(%arg0: i32) -> (i32, i32) {
    %c0_i32 = arith.constant 0 : i32
    %c0_i32_0 = arith.constant 0 : i32
    %c0_i32_1 = arith.constant 0 : i32
    return %c0_i32, %c0_i32_0 : i32, i32
  }
  func.func @transform_4(%arg0: i32) -> (i32, i32) {
    %c0_i32 = arith.constant 0 : i32
    %c0_i32_0 = arith.constant 0 : i32
    %c0_i32_1 = arith.constant 0 : i32
    return %c0_i32, %c0_i32_0 : i32, i32
  }
  func.func @transform_5(%arg0: i32) -> (i32, i32) {
    %c0_i32 = arith.constant 0 : i32
    %c0_i32_0 = arith.constant 0 : i32
    %c0_i32_1 = arith.constant 0 : i32
    return %c0_i32, %c0_i32_0 : i32, i32
  }
  func.func @transform_6(%arg0: i32) -> (i32, i32) {
    %c0_i32 = arith.constant 0 : i32
    %c0_i32_0 = arith.constant 0 : i32
    %c0_i32_1 = arith.constant 0 : i32
    return %c0_i32, %c0_i32_0 : i32, i32
  }
}

module attributes {stable_mosaic.version = 14 : i64} {
  func.func @body(%arg0: i32, %arg1: memref<3200x128xf32, #tpu.memory_space<vmem>>, %arg2: memref<3200x64xf32, #tpu.memory_space<vmem>>, %arg3: memref<128x256xf32, #tpu.memory_space<vmem>>, %arg4: memref<1x256xf32, #tpu.memory_space<vmem>>, %arg5: memref<256x128xf32, #tpu.memory_space<vmem>>, %arg6: memref<1x128xf32, #tpu.memory_space<vmem>>, %arg7: memref<1x128xf32, #tpu.memory_space<vmem>>, %arg8: memref<3200x128xf32, #tpu.memory_space<vmem>>, %arg9: memref<1x128xf32, #tpu.memory_space<vmem>>, %arg10: memref<1x128xf32, #tpu.memory_space<vmem>>, %arg11: memref<1x128xf32, #tpu.memory_space<vmem>>, %arg12: memref<1x128xf32, #tpu.memory_space<vmem>>) attributes {dimension_semantics = [#tpu.dimension_semantics<arbitrary>], iteration_bounds = array<i64: 100>, scalar_prefetch = 0 : i64, scratch_operands = 2 : i64, tpu.core_type = #tpu.core_type<tc>, window_params = [{transform_indices = @transform_0, window_bounds = array<i64: 3200, 128>}, {transform_indices = @transform_1, window_bounds = array<i64: 3200, 64>}, {pipeline_mode = #tpu.pipeline_mode<synchronous>, transform_indices = @transform_2, window_bounds = array<i64: 128, 256>}, {pipeline_mode = #tpu.pipeline_mode<synchronous>, transform_indices = @transform_3, window_bounds = array<i64: 1, 256>}, {pipeline_mode = #tpu.pipeline_mode<synchronous>, transform_indices = @transform_4, window_bounds = array<i64: 256, 128>}, {pipeline_mode = #tpu.pipeline_mode<synchronous>, transform_indices = @transform_5, window_bounds = array<i64: 1, 128>}, {pipeline_mode = #tpu.pipeline_mode<synchronous>, transform_indices = @transform_6, window_bounds = array<i64: 1, 128>}, {transform_indices = @transform_7, window_bounds = array<i64: 3200, 128>}, {pipeline_mode = #tpu.pipeline_mode<synchronous>, transform_indices = @transform_8, window_bounds = array<i64: 1, 128>}, {pipeline_mode = #tpu.pipeline_mode<synchronous>, transform_indices = @transform_9, window_bounds = array<i64: 1, 128>}]} {
    %eq3A = arith.constant 0 : i32
    %eq3A_0 = arith.cmpi eq, %arg0, %eq3A : i32
    %convert_element_type3A = arith.extui %eq3A_0 : i1 to i32
    %cond3A = arith.constant 0 : i32
    %cond3A_1 = arith.cmpi ne, %convert_element_type3A, %cond3A : i32
    scf.if %cond3A_1 {
      %broadcast_in_dim3A_47 = arith.constant 0.000000e+00 : f32
      %broadcast_in_dim3A_48 = vector.broadcast %broadcast_in_dim3A_47 : f32 to vector<1x128xf32>
      %swap3A_49 = arith.constant 0 : index
      %swap3A_50 = arith.constant 0 : index
      %swap3A_51 = vector.load %arg11[%swap3A_49, %swap3A_50] : memref<1x128xf32, #tpu.memory_space<vmem>>, vector<1x128xf32>
      tpu.vector_store %arg11[%swap3A_49, %swap3A_50], %broadcast_in_dim3A_48 {strides = array<i32>} : memref<1x128xf32, #tpu.memory_space<vmem>>, vector<1x128xf32>,
      %broadcast_in_dim3A_52 = arith.constant 0.000000e+00 : f32
      %broadcast_in_dim3A_53 = vector.broadcast %broadcast_in_dim3A_52 : f32 to vector<1x128xf32>
      %swap3A_54 = arith.constant 0 : index
      %swap3A_55 = arith.constant 0 : index
      %swap3A_56 = vector.load %arg12[%swap3A_54, %swap3A_55] : memref<1x128xf32, #tpu.memory_space<vmem>>, vector<1x128xf32>
      tpu.vector_store %arg12[%swap3A_54, %swap3A_55], %broadcast_in_dim3A_53 {strides = array<i32>} : memref<1x128xf32, #tpu.memory_space<vmem>>, vector<1x128xf32>,
    } else {
    }
    %get3A = arith.constant 0 : index
    %get3A_2 = arith.constant 0 : index
    %get3A_3 = vector.load %arg1[%get3A, %get3A_2] : memref<3200x128xf32, #tpu.memory_space<vmem>>, vector<3200x128xf32>
    %slice3A = vector.extract_strided_slice %get3A_3 {offsets = [0, 0], sizes = [3200, 64], strides = [1, 1]} : vector<3200x128xf32> to vector<3200x64xf32>
    %get3A_4 = arith.constant 0 : index
    %get3A_5 = arith.constant 0 : index
    %get3A_6 = vector.load %arg2[%get3A_4, %get3A_5] : memref<3200x64xf32, #tpu.memory_space<vmem>>, vector<3200x64xf32>
    %concatenate3A = tpu.concatenate %slice3A, %get3A_6 in 1 : vector<3200x64xf32>, vector<3200x64xf32> -> vector<3200x128xf32>
    %get3A_7 = arith.constant 0 : index
    %get3A_8 = arith.constant 0 : index
    %get3A_9 = vector.load %arg3[%get3A_7, %get3A_8] : memref<128x256xf32, #tpu.memory_space<vmem>>, vector<128x256xf32>
    %dot_general3A = arith.constant dense<0.000000e+00> : vector<3200x256xf32>
    %dot_general3A_10 = tpu.matmul %concatenate3A, %get3A_9, %dot_general3A {dimension_numbers = #tpu.dot_dimension_numbers<[1], [0], [0], [1], [0, 0, 1, 1], [], []>, transpose_lhs_hint = false} : vector<3200x128xf32>, vector<128x256xf32>, vector<3200x256xf32> -> vector<3200x256xf32>
    %get3A_11 = arith.constant 0 : index
    %get3A_12 = arith.constant 0 : index
    %get3A_13 = vector.load %arg4[%get3A_11, %get3A_12] : memref<1x256xf32, #tpu.memory_space<vmem>>, vector<1x256xf32>
    %add3A = vector.broadcast %get3A_13 : vector<1x256xf32> to vector<3200x256xf32>
    %add3A_14 = arith.addf %dot_general3A_10, %add3A : vector<3200x256xf32>
    %max3A = arith.constant 0.000000e+00 : f32
    %max3A_15 = vector.broadcast %max3A : f32 to vector<3200x256xf32>
    %max3A_16 = arith.maximumf %add3A_14, %max3A_15 : vector<3200x256xf32>
    %get3A_17 = arith.constant 0 : index
    %get3A_18 = arith.constant 0 : index
    %get3A_19 = vector.load %arg5[%get3A_17, %get3A_18] : memref<256x128xf32, #tpu.memory_space<vmem>>, vector<256x128xf32>
    %dot_general3A_20 = arith.constant dense<0.000000e+00> : vector<3200x128xf32>
    %dot_general3A_21 = tpu.matmul %max3A_16, %get3A_19, %dot_general3A_20 {dimension_numbers = #tpu.dot_dimension_numbers<[1], [0], [0], [1], [0, 0, 1, 1], [], []>, transpose_lhs_hint = false} : vector<3200x256xf32>, vector<256x128xf32>, vector<3200x128xf32> -> vector<3200x128xf32>
    %swap3A = arith.constant 0 : index
    %swap3A_22 = arith.constant 0 : index
    %swap3A_23 = vector.load %arg8[%swap3A, %swap3A_22] : memref<3200x128xf32, #tpu.memory_space<vmem>>, vector<3200x128xf32>
    tpu.vector_store %arg8[%swap3A, %swap3A_22], %dot_general3A_21 {strides = array<i32>} : memref<3200x128xf32, #tpu.memory_space<vmem>>, vector<3200x128xf32>,
    %get3A_24 = arith.constant 0 : index
    %get3A_25 = arith.constant 0 : index
    %get3A_26 = vector.load %arg11[%get3A_24, %get3A_25] : memref<1x128xf32, #tpu.memory_space<vmem>>, vector<1x128xf32>
    %reduce_sum3A = arith.constant dense<0.000000e+00> : vector<128xf32>
    %reduce_sum3A_27 = vector.multi_reduction <add>, %dot_general3A_21, %reduce_sum3A [0] : vector<3200x128xf32> to vector<128xf32>
    %broadcast_in_dim3A = vector.shape_cast %reduce_sum3A_27 : vector<128xf32> to vector<1x128xf32>
    %add3A_28 = arith.addf %get3A_26, %broadcast_in_dim3A : vector<1x128xf32>
    %swap3A_29 = arith.constant 0 : index
    %swap3A_30 = arith.constant 0 : index
    %swap3A_31 = vector.load %arg11[%swap3A_29, %swap3A_30] : memref<1x128xf32, #tpu.memory_space<vmem>>, vector<1x128xf32>
    tpu.vector_store %arg11[%swap3A_29, %swap3A_30], %add3A_28 {strides = array<i32>} : memref<1x128xf32, #tpu.memory_space<vmem>>, vector<1x128xf32>,
    %get3A_32 = arith.constant 0 : index
    %get3A_33 = arith.constant 0 : index
    %get3A_34 = vector.load %arg12[%get3A_32, %get3A_33] : memref<1x128xf32, #tpu.memory_space<vmem>>, vector<1x128xf32>
    %mul3A = arith.mulf %dot_general3A_21, %dot_general3A_21 : vector<3200x128xf32>
    %reduce_sum3A_35 = arith.constant dense<0.000000e+00> : vector<128xf32>
    %reduce_sum3A_36 = vector.multi_reduction <add>, %mul3A, %reduce_sum3A_35 [0] : vector<3200x128xf32> to vector<128xf32>
    %broadcast_in_dim3A_37 = vector.shape_cast %reduce_sum3A_36 : vector<128xf32> to vector<1x128xf32>
    %add3A_38 = arith.addf %get3A_34, %broadcast_in_dim3A_37 : vector<1x128xf32>
    %swap3A_39 = arith.constant 0 : index
    %swap3A_40 = arith.constant 0 : index
    %swap3A_41 = vector.load %arg12[%swap3A_39, %swap3A_40] : memref<1x128xf32, #tpu.memory_space<vmem>>, vector<1x128xf32>
    tpu.vector_store %arg12[%swap3A_39, %swap3A_40], %add3A_38 {strides = array<i32>} : memref<1x128xf32, #tpu.memory_space<vmem>>, vector<1x128xf32>,
    %eq3A_42 = arith.constant 99 : i32
    %eq3A_43 = arith.cmpi eq, %arg0, %eq3A_42 : i32
    %convert_element_type3A_44 = arith.extui %eq3A_43 : i1 to i32
    %cond3A_45 = arith.constant 0 : i32
    %cond3A_46 = arith.cmpi ne, %convert_element_type3A_44, %cond3A_45 : i32
    scf.if %cond3A_46 {
      %get3A_47 = arith.constant 0 : index
      %get3A_48 = arith.constant 0 : index
      %get3A_49 = vector.load %arg11[%get3A_47, %get3A_48] : memref<1x128xf32, #tpu.memory_space<vmem>>, vector<1x128xf32>
      %div3A = arith.constant 3.200000e+05 : f32
      %div3A_50 = vector.broadcast %div3A : f32 to vector<1x128xf32>
      %div3A_51 = arith.divf %get3A_49, %div3A_50 : vector<1x128xf32>
      %get3A_52 = arith.constant 0 : index
      %get3A_53 = arith.constant 0 : index
      %get3A_54 = vector.load %arg12[%get3A_52, %get3A_53] : memref<1x128xf32, #tpu.memory_space<vmem>>, vector<1x128xf32>
      %div3A_55 = arith.constant 3.200000e+05 : f32
      %div3A_56 = vector.broadcast %div3A_55 : f32 to vector<1x128xf32>
      %div3A_57 = arith.divf %get3A_54, %div3A_56 : vector<1x128xf32>
      %mul3A_58 = arith.mulf %div3A_51, %div3A_51 : vector<1x128xf32>
      %sub3A = arith.subf %div3A_57, %mul3A_58 : vector<1x128xf32>
      %get3A_59 = arith.constant 0 : index
      %get3A_60 = arith.constant 0 : index
      %get3A_61 = vector.load %arg6[%get3A_59, %get3A_60] : memref<1x128xf32, #tpu.memory_space<vmem>>, vector<1x128xf32>
      %add3A_62 = arith.constant 9.99999974E-6 : f32
      %add3A_63 = vector.broadcast %add3A_62 : f32 to vector<1x128xf32>
      %add3A_64 = arith.addf %sub3A, %add3A_63 : vector<1x128xf32>
      %rsqrt3A = math.rsqrt %add3A_64 : vector<1x128xf32>
      %mul3A_65 = arith.mulf %get3A_61, %rsqrt3A : vector<1x128xf32>
      %swap3A_66 = arith.constant 0 : index
      %swap3A_67 = arith.constant 0 : index
      %swap3A_68 = vector.load %arg9[%swap3A_66, %swap3A_67] : memref<1x128xf32, #tpu.memory_space<vmem>>, vector<1x128xf32>
      tpu.vector_store %arg9[%swap3A_66, %swap3A_67], %mul3A_65 {strides = array<i32>} : memref<1x128xf32, #tpu.memory_space<vmem>>, vector<1x128xf32>,
      %get3A_69 = arith.constant 0 : index
      %get3A_70 = arith.constant 0 : index
      %get3A_71 = vector.load %arg7[%get3A_69, %get3A_70] : memref<1x128xf32, #tpu.memory_space<vmem>>, vector<1x128xf32>
      %mul3A_72 = arith.mulf %div3A_51, %mul3A_65 : vector<1x128xf32>
      %sub3A_73 = arith.subf %get3A_71, %mul3A_72 : vector<1x128xf32>
      %swap3A_74 = arith.constant 0 : index
      %swap3A_75 = arith.constant 0 : index
      %swap3A_76 = vector.load %arg10[%swap3A_74, %swap3A_75] : memref<1x128xf32, #tpu.memory_space<vmem>>, vector<1x128xf32>
      tpu.vector_store %arg10[%swap3A_74, %swap3A_75], %sub3A_73 {strides = array<i32>} : memref<1x128xf32, #tpu.memory_space<vmem>>, vector<1x128xf32>,
    } else {
    }
    return
  }
  func.func @transform_0(%arg0: i32) -> (i32, i32) {
    %c0_i32 = arith.constant 0 : i32
    %c0_i32_0 = arith.constant 0 : i32
    return %arg0, %c0_i32 : i32, i32
  }
  func.func @transform_1(%arg0: i32) -> (i32, i32) {
    %c0_i32 = arith.constant 0 : i32
    %c0_i32_0 = arith.constant 0 : i32
    return %arg0, %c0_i32 : i32, i32
  }
  func.func @transform_2(%arg0: i32) -> (i32, i32) {
    %c0_i32 = arith.constant 0 : i32
    %c0_i32_0 = arith.constant 0 : i32
    %c0_i32_1 = arith.constant 0 : i32
    return %c0_i32, %c0_i32_0 : i32, i32
  }
  func.func @transform_3(%arg0: i32) -> (i32, i32) {
    %c0_i32 = arith.constant 0 : i32
    %c0_i32_0 = arith.constant 0 : i32
    %c0_i32_1 = arith.constant 0 : i32
    return %c0_i32, %c0_i32_0 : i32, i32
  }
  func.func @transform_4(%arg0: i32) -> (i32, i32) {
    %c0_i32 = arith.constant 0 : i32
    %c0_i32_0 = arith.constant 0 : i32
    %c0_i32_1 = arith.constant 0 : i32
    return %c0_i32, %c0_i32_0 : i32, i32
  }
  func.func @transform_5(%arg0: i32) -> (i32, i32) {
    %c0_i32 = arith.constant 0 : i32
    %c0_i32_0 = arith.constant 0 : i32
    %c0_i32_1 = arith.constant 0 : i32
    return %c0_i32, %c0_i32_0 : i32, i32
  }
  func.func @transform_6(%arg0: i32) -> (i32, i32) {
    %c0_i32 = arith.constant 0 : i32
    %c0_i32_0 = arith.constant 0 : i32
    %c0_i32_1 = arith.constant 0 : i32
    return %c0_i32, %c0_i32_0 : i32, i32
  }
  func.func @transform_7(%arg0: i32) -> (i32, i32) {
    %c0_i32 = arith.constant 0 : i32
    %c0_i32_0 = arith.constant 0 : i32
    return %arg0, %c0_i32 : i32, i32
  }
  func.func @transform_8(%arg0: i32) -> (i32, i32) {
    %c0_i32 = arith.constant 0 : i32
    %c0_i32_0 = arith.constant 0 : i32
    %c0_i32_1 = arith.constant 0 : i32
    return %c0_i32, %c0_i32_0 : i32, i32
  }
  func.func @transform_9(%arg0: i32) -> (i32, i32) {
    %c0_i32 = arith.constant 0 : i32
    %c0_i32_0 = arith.constant 0 : i32
    %c0_i32_1 = arith.constant 0 : i32
    return %c0_i32, %c0_i32_0 : i32, i32
  }
}

module attributes {stable_mosaic.version = 14 : i64} {
  func.func @body(%arg0: i32, %arg1: memref<2000x128xf32, #tpu.memory_space<vmem>>, %arg2: memref<2000x128xf32, #tpu.memory_space<vmem>>, %arg3: memref<128x256xf32, #tpu.memory_space<vmem>>, %arg4: memref<1x256xf32, #tpu.memory_space<vmem>>, %arg5: memref<1x256xf32, #tpu.memory_space<vmem>>, %arg6: memref<256x256xf32, #tpu.memory_space<vmem>>, %arg7: memref<1x256xf32, #tpu.memory_space<vmem>>, %arg8: memref<1x256xf32, #tpu.memory_space<vmem>>, %arg9: memref<256x128xf32, #tpu.memory_space<vmem>>, %arg10: memref<1x128xf32, #tpu.memory_space<vmem>>, %arg11: memref<2000x128xf32, #tpu.memory_space<vmem>>, %arg12: memref<128x128xf32, #tpu.memory_space<vmem>>, %arg13: memref<1x128xf32, #tpu.memory_space<vmem>>, %arg14: memref<128x256xf32, #tpu.memory_space<vmem>>, %arg15: memref<1x256xf32, #tpu.memory_space<vmem>>, %arg16: memref<10000x256xf32, #tpu.memory_space<vmem>>, %arg17: memref<1x256xf32, #tpu.memory_space<vmem>>, %arg18: memref<1x256xf32, #tpu.memory_space<vmem>>, %arg19: memref<1x256xf32, #tpu.memory_space<vmem>>, %arg20: memref<1x256xf32, #tpu.memory_space<vmem>>) attributes {dimension_semantics = [#tpu.dimension_semantics<arbitrary>], iteration_bounds = array<i64: 15>, scalar_prefetch = 0 : i64, scratch_operands = 9 : i64, tpu.core_type = #tpu.core_type<tc>, window_params = [{transform_indices = @transform_0, window_bounds = array<i64: 2000, 128>}, {transform_indices = @transform_1, window_bounds = array<i64: 2000, 128>}, {pipeline_mode = #tpu.pipeline_mode<synchronous>, transform_indices = @transform_2, window_bounds = array<i64: 128, 256>}, {pipeline_mode = #tpu.pipeline_mode<synchronous>, transform_indices = @transform_3, window_bounds = array<i64: 1, 256>}, {pipeline_mode = #tpu.pipeline_mode<synchronous>, transform_indices = @transform_4, window_bounds = array<i64: 1, 256>}, {pipeline_mode = #tpu.pipeline_mode<synchronous>, transform_indices = @transform_5, window_bounds = array<i64: 256, 256>}, {pipeline_mode = #tpu.pipeline_mode<synchronous>, transform_indices = @transform_6, window_bounds = array<i64: 1, 256>}, {pipeline_mode = #tpu.pipeline_mode<synchronous>, transform_indices = @transform_7, window_bounds = array<i64: 1, 256>}, {pipeline_mode = #tpu.pipeline_mode<synchronous>, transform_indices = @transform_8, window_bounds = array<i64: 256, 128>}, {pipeline_mode = #tpu.pipeline_mode<synchronous>, transform_indices = @transform_9, window_bounds = array<i64: 1, 128>}, {transform_indices = @transform_10, window_bounds = array<i64: 2000, 128>}]} {
    %eq3A = arith.constant 0 : i32
    %eq3A_0 = arith.cmpi eq, %arg0, %eq3A : i32
    %convert_element_type3A = arith.extui %eq3A_0 : i1 to i32
    %cond3A = arith.constant 0 : i32
    %cond3A_1 = arith.cmpi ne, %convert_element_type3A, %cond3A : i32
    scf.if %cond3A_1 {
      %broadcast_in_dim3A = arith.constant 0.000000e+00 : f32
      %broadcast_in_dim3A_17 = vector.broadcast %broadcast_in_dim3A : f32 to vector<128x128xf32>
      %swap3A = arith.constant 0 : index
      %swap3A_18 = arith.constant 0 : index
      %swap3A_19 = vector.load %arg12[%swap3A, %swap3A_18] : memref<128x128xf32, #tpu.memory_space<vmem>>, vector<128x128xf32>
      tpu.vector_store %arg12[%swap3A, %swap3A_18], %broadcast_in_dim3A_17 {strides = array<i32>} : memref<128x128xf32, #tpu.memory_space<vmem>>, vector<128x128xf32>,
      %broadcast_in_dim3A_20 = arith.constant 0.000000e+00 : f32
      %broadcast_in_dim3A_21 = vector.broadcast %broadcast_in_dim3A_20 : f32 to vector<1x128xf32>
      %swap3A_22 = arith.constant 0 : index
      %swap3A_23 = arith.constant 0 : index
      %swap3A_24 = vector.load %arg13[%swap3A_22, %swap3A_23] : memref<1x128xf32, #tpu.memory_space<vmem>>, vector<1x128xf32>
      tpu.vector_store %arg13[%swap3A_22, %swap3A_23], %broadcast_in_dim3A_21 {strides = array<i32>} : memref<1x128xf32, #tpu.memory_space<vmem>>, vector<1x128xf32>,
      %broadcast_in_dim3A_25 = arith.constant 0.000000e+00 : f32
      %broadcast_in_dim3A_26 = vector.broadcast %broadcast_in_dim3A_25 : f32 to vector<1x256xf32>
      %swap3A_27 = arith.constant 0 : index
      %swap3A_28 = arith.constant 0 : index
      %swap3A_29 = vector.load %arg17[%swap3A_27, %swap3A_28] : memref<1x256xf32, #tpu.memory_space<vmem>>, vector<1x256xf32>
      tpu.vector_store %arg17[%swap3A_27, %swap3A_28], %broadcast_in_dim3A_26 {strides = array<i32>} : memref<1x256xf32, #tpu.memory_space<vmem>>, vector<1x256xf32>,
      %broadcast_in_dim3A_30 = arith.constant 0.000000e+00 : f32
      %broadcast_in_dim3A_31 = vector.broadcast %broadcast_in_dim3A_30 : f32 to vector<1x256xf32>
      %swap3A_32 = arith.constant 0 : index
      %swap3A_33 = arith.constant 0 : index
      %swap3A_34 = vector.load %arg18[%swap3A_32, %swap3A_33] : memref<1x256xf32, #tpu.memory_space<vmem>>, vector<1x256xf32>
      tpu.vector_store %arg18[%swap3A_32, %swap3A_33], %broadcast_in_dim3A_31 {strides = array<i32>} : memref<1x256xf32, #tpu.memory_space<vmem>>, vector<1x256xf32>,
    } else {
    }
    %lt3A = arith.constant 5 : i32
    %lt3A_2 = arith.cmpi slt, %arg0, %lt3A : i32
    %convert_element_type3A_3 = arith.extui %lt3A_2 : i1 to i32
    %cond3A_4 = arith.constant 0 : i32
    %cond3A_5 = arith.cmpi ne, %convert_element_type3A_3, %cond3A_4 : i32
    scf.if %cond3A_5 {
      %get3A = arith.constant 0 : index
      %get3A_17 = arith.constant 0 : index
      %get3A_18 = vector.load %arg1[%get3A, %get3A_17] : memref<2000x128xf32, #tpu.memory_space<vmem>>, vector<2000x128xf32>
      %get3A_19 = arith.constant 0 : index
      %get3A_20 = arith.constant 0 : index
      %get3A_21 = vector.load %arg2[%get3A_19, %get3A_20] : memref<2000x128xf32, #tpu.memory_space<vmem>>, vector<2000x128xf32>
      %add3A = arith.addf %get3A_18, %get3A_21 : vector<2000x128xf32>
      %get3A_22 = arith.constant 0 : index
      %get3A_23 = arith.constant 0 : index
      %get3A_24 = vector.load %arg12[%get3A_22, %get3A_23] : memref<128x128xf32, #tpu.memory_space<vmem>>, vector<128x128xf32>
      %dot_general3A = arith.constant dense<0.000000e+00> : vector<128x128xf32>
      %dot_general3A_25 = tpu.matmul %add3A, %add3A, %dot_general3A {dimension_numbers = #tpu.dot_dimension_numbers<[0], [0], [1], [1], [0, 1, 1, 1], [], []>, transpose_lhs_hint = false} : vector<2000x128xf32>, vector<2000x128xf32>, vector<128x128xf32> -> vector<128x128xf32>
      %add3A_26 = arith.addf %get3A_24, %dot_general3A_25 : vector<128x128xf32>
      %swap3A = arith.constant 0 : index
      %swap3A_27 = arith.constant 0 : index
      %swap3A_28 = vector.load %arg12[%swap3A, %swap3A_27] : memref<128x128xf32, #tpu.memory_space<vmem>>, vector<128x128xf32>
      tpu.vector_store %arg12[%swap3A, %swap3A_27], %add3A_26 {strides = array<i32>} : memref<128x128xf32, #tpu.memory_space<vmem>>, vector<128x128xf32>,
      %get3A_29 = arith.constant 0 : index
      %get3A_30 = arith.constant 0 : index
      %get3A_31 = vector.load %arg13[%get3A_29, %get3A_30] : memref<1x128xf32, #tpu.memory_space<vmem>>, vector<1x128xf32>
      %reduce_sum3A = arith.constant dense<0.000000e+00> : vector<128xf32>
      %reduce_sum3A_32 = vector.multi_reduction <add>, %add3A, %reduce_sum3A [0] : vector<2000x128xf32> to vector<128xf32>
      %broadcast_in_dim3A = vector.shape_cast %reduce_sum3A_32 : vector<128xf32> to vector<1x128xf32>
      %add3A_33 = arith.addf %get3A_31, %broadcast_in_dim3A : vector<1x128xf32>
      %swap3A_34 = arith.constant 0 : index
      %swap3A_35 = arith.constant 0 : index
      %swap3A_36 = vector.load %arg13[%swap3A_34, %swap3A_35] : memref<1x128xf32, #tpu.memory_space<vmem>>, vector<1x128xf32>
      tpu.vector_store %arg13[%swap3A_34, %swap3A_35], %add3A_33 {strides = array<i32>} : memref<1x128xf32, #tpu.memory_space<vmem>>, vector<1x128xf32>,
      %eq3A_37 = arith.constant 4 : i32
      %eq3A_38 = arith.cmpi eq, %arg0, %eq3A_37 : i32
      %convert_element_type3A_39 = arith.extui %eq3A_38 : i1 to i32
      %cond3A_40 = arith.constant 0 : i32
      %cond3A_41 = arith.cmpi ne, %convert_element_type3A_39, %cond3A_40 : i32
      scf.if %cond3A_41 {
        %get3A_42 = arith.constant 0 : index
        %get3A_43 = arith.constant 0 : index
        %get3A_44 = vector.load %arg3[%get3A_42, %get3A_43] : memref<128x256xf32, #tpu.memory_space<vmem>>, vector<128x256xf32>
        %get3A_45 = arith.constant 0 : index
        %get3A_46 = arith.constant 0 : index
        %get3A_47 = vector.load %arg13[%get3A_45, %get3A_46] : memref<1x128xf32, #tpu.memory_space<vmem>>, vector<1x128xf32>
        %dot_general3A_48 = arith.constant dense<0.000000e+00> : vector<1x256xf32>
        %dot_general3A_49 = tpu.matmul %get3A_47, %get3A_44, %dot_general3A_48 {dimension_numbers = #tpu.dot_dimension_numbers<[1], [0], [0], [1], [0, 0, 1, 1], [], []>, transpose_lhs_hint = false} : vector<1x128xf32>, vector<128x256xf32>, vector<1x256xf32> -> vector<1x256xf32>
        %div3A = arith.constant 1.000000e+04 : f32
        %div3A_50 = vector.broadcast %div3A : f32 to vector<1x256xf32>
        %div3A_51 = arith.divf %dot_general3A_49, %div3A_50 : vector<1x256xf32>
        %get3A_52 = arith.constant 0 : index
        %get3A_53 = arith.constant 0 : index
        %get3A_54 = vector.load %arg12[%get3A_52, %get3A_53] : memref<128x128xf32, #tpu.memory_space<vmem>>, vector<128x128xf32>
        %dot_general3A_55 = arith.constant dense<0.000000e+00> : vector<128x256xf32>
        %dot_general3A_56 = tpu.matmul %get3A_54, %get3A_44, %dot_general3A_55 {dimension_numbers = #tpu.dot_dimension_numbers<[1], [0], [0], [1], [0, 0, 1, 1], [], []>, transpose_lhs_hint = false} : vector<128x128xf32>, vector<128x256xf32>, vector<128x256xf32> -> vector<128x256xf32>
        %mul3A = arith.mulf %get3A_44, %dot_general3A_56 : vector<128x256xf32>
        %reduce_sum3A_57 = arith.constant dense<0.000000e+00> : vector<256xf32>
        %reduce_sum3A_58 = vector.multi_reduction <add>, %mul3A, %reduce_sum3A_57 [0] : vector<128x256xf32> to vector<256xf32>
        %broadcast_in_dim3A_59 = vector.shape_cast %reduce_sum3A_58 : vector<256xf32> to vector<1x256xf32>
        %div3A_60 = arith.constant 1.000000e+04 : f32
        %div3A_61 = vector.broadcast %div3A_60 : f32 to vector<1x256xf32>
        %div3A_62 = arith.divf %broadcast_in_dim3A_59, %div3A_61 : vector<1x256xf32>
        %mul3A_63 = arith.mulf %div3A_51, %div3A_51 : vector<1x256xf32>
        %sub3A = arith.subf %div3A_62, %mul3A_63 : vector<1x256xf32>
        %get3A_64 = arith.constant 0 : index
        %get3A_65 = arith.constant 0 : index
        %get3A_66 = vector.load %arg4[%get3A_64, %get3A_65] : memref<1x256xf32, #tpu.memory_space<vmem>>, vector<1x256xf32>
        %add3A_67 = arith.constant 9.99999974E-6 : f32
        %add3A_68 = vector.broadcast %add3A_67 : f32 to vector<1x256xf32>
        %add3A_69 = arith.addf %sub3A, %add3A_68 : vector<1x256xf32>
        %rsqrt3A = math.rsqrt %add3A_69 : vector<1x256xf32>
        %mul3A_70 = arith.mulf %get3A_66, %rsqrt3A : vector<1x256xf32>
        %get3A_71 = arith.constant 0 : index
        %get3A_72 = arith.constant 0 : index
        %get3A_73 = vector.load %arg5[%get3A_71, %get3A_72] : memref<1x256xf32, #tpu.memory_space<vmem>>, vector<1x256xf32>
        %mul3A_74 = arith.mulf %div3A_51, %mul3A_70 : vector<1x256xf32>
        %sub3A_75 = arith.subf %get3A_73, %mul3A_74 : vector<1x256xf32>
        %swap3A_76 = arith.constant 0 : index
        %swap3A_77 = arith.constant 0 : index
        %swap3A_78 = vector.load %arg15[%swap3A_76, %swap3A_77] : memref<1x256xf32, #tpu.memory_space<vmem>>, vector<1x256xf32>
        tpu.vector_store %arg15[%swap3A_76, %swap3A_77], %sub3A_75 {strides = array<i32>} : memref<1x256xf32, #tpu.memory_space<vmem>>, vector<1x256xf32>,
        %mul3A_79 = vector.broadcast %mul3A_70 : vector<1x256xf32> to vector<128x256xf32>
        %mul3A_80 = arith.mulf %get3A_44, %mul3A_79 : vector<128x256xf32>
        %swap3A_81 = arith.constant 0 : index
        %swap3A_82 = arith.constant 0 : index
        %swap3A_83 = vector.load %arg14[%swap3A_81, %swap3A_82] : memref<128x256xf32, #tpu.memory_space<vmem>>, vector<128x256xf32>
        tpu.vector_store %arg14[%swap3A_81, %swap3A_82], %mul3A_80 {strides = array<i32>} : memref<128x256xf32, #tpu.memory_space<vmem>>, vector<128x256xf32>,
      } else {
      }
    } else {
    }
    %ge3A = arith.constant 5 : i32
    %ge3A_6 = arith.cmpi sge, %arg0, %ge3A : i32
    %lt3A_7 = arith.constant 10 : i32
    %lt3A_8 = arith.cmpi slt, %arg0, %lt3A_7 : i32
    %and3A = arith.andi %ge3A_6, %lt3A_8 : i1
    %convert_element_type3A_9 = arith.extui %and3A : i1 to i32
    %cond3A_10 = arith.constant 0 : i32
    %cond3A_11 = arith.cmpi ne, %convert_element_type3A_9, %cond3A_10 : i32
    scf.if %cond3A_11 {
      %sub3A = arith.constant 5 : i32
      %sub3A_17 = arith.subi %arg0, %sub3A : i32
      %get3A = arith.constant 0 : index
      %get3A_18 = arith.constant 0 : index
      %get3A_19 = vector.load %arg1[%get3A, %get3A_18] : memref<2000x128xf32, #tpu.memory_space<vmem>>, vector<2000x128xf32>
      %get3A_20 = arith.constant 0 : index
      %get3A_21 = arith.constant 0 : index
      %get3A_22 = vector.load %arg2[%get3A_20, %get3A_21] : memref<2000x128xf32, #tpu.memory_space<vmem>>, vector<2000x128xf32>
      %add3A = arith.addf %get3A_19, %get3A_22 : vector<2000x128xf32>
      %get3A_23 = arith.constant 0 : index
      %get3A_24 = arith.constant 0 : index
      %get3A_25 = vector.load %arg14[%get3A_23, %get3A_24] : memref<128x256xf32, #tpu.memory_space<vmem>>, vector<128x256xf32>
      %dot_general3A = arith.constant dense<0.000000e+00> : vector<2000x256xf32>
      %dot_general3A_26 = tpu.matmul %add3A, %get3A_25, %dot_general3A {dimension_numbers = #tpu.dot_dimension_numbers<[1], [0], [0], [1], [0, 0, 1, 1], [], []>, transpose_lhs_hint = false} : vector<2000x128xf32>, vector<128x256xf32>, vector<2000x256xf32> -> vector<2000x256xf32>
      %get3A_27 = arith.constant 0 : index
      %get3A_28 = arith.constant 0 : index
      %get3A_29 = vector.load %arg15[%get3A_27, %get3A_28] : memref<1x256xf32, #tpu.memory_space<vmem>>, vector<1x256xf32>
      %add3A_30 = vector.broadcast %get3A_29 : vector<1x256xf32> to vector<2000x256xf32>
      %add3A_31 = arith.addf %dot_general3A_26, %add3A_30 : vector<2000x256xf32>
      %max3A = arith.constant 0.000000e+00 : f32
      %max3A_32 = vector.broadcast %max3A : f32 to vector<2000x256xf32>
      %max3A_33 = arith.maximumf %add3A_31, %max3A_32 : vector<2000x256xf32>
      %get3A_34 = arith.constant 0 : index
      %get3A_35 = arith.constant 0 : index
      %get3A_36 = vector.load %arg6[%get3A_34, %get3A_35] : memref<256x256xf32, #tpu.memory_space<vmem>>, vector<256x256xf32>
      %dot_general3A_37 = arith.constant dense<0.000000e+00> : vector<2000x256xf32>
      %dot_general3A_38 = tpu.matmul %max3A_33, %get3A_36, %dot_general3A_37 {dimension_numbers = #tpu.dot_dimension_numbers<[1], [0], [0], [1], [0, 0, 1, 1], [], []>, transpose_lhs_hint = false} : vector<2000x256xf32>, vector<256x256xf32>, vector<2000x256xf32> -> vector<2000x256xf32>
      %mul3A = arith.constant 2000 : i32
      %mul3A_39 = arith.muli %sub3A_17, %mul3A : i32
      %swap3A = arith.index_cast %mul3A_39 : i32 to index
      %swap3A_40 = arith.constant 0 : index
      %swap3A_41 = vector.load %arg16[%swap3A, %swap3A_40] : memref<10000x256xf32, #tpu.memory_space<vmem>>, vector<2000x256xf32>
      tpu.vector_store %arg16[%swap3A, %swap3A_40], %dot_general3A_38 {strides = array<i32>} : memref<10000x256xf32, #tpu.memory_space<vmem>>, vector<2000x256xf32>,
      %get3A_42 = arith.constant 0 : index
      %get3A_43 = arith.constant 0 : index
      %get3A_44 = vector.load %arg17[%get3A_42, %get3A_43] : memref<1x256xf32, #tpu.memory_space<vmem>>, vector<1x256xf32>
      %reduce_sum3A = arith.constant dense<0.000000e+00> : vector<256xf32>
      %reduce_sum3A_45 = vector.multi_reduction <add>, %dot_general3A_38, %reduce_sum3A [0] : vector<2000x256xf32> to vector<256xf32>
      %broadcast_in_dim3A = vector.shape_cast %reduce_sum3A_45 : vector<256xf32> to vector<1x256xf32>
      %add3A_46 = arith.addf %get3A_44, %broadcast_in_dim3A : vector<1x256xf32>
      %swap3A_47 = arith.constant 0 : index
      %swap3A_48 = arith.constant 0 : index
      %swap3A_49 = vector.load %arg17[%swap3A_47, %swap3A_48] : memref<1x256xf32, #tpu.memory_space<vmem>>, vector<1x256xf32>
      tpu.vector_store %arg17[%swap3A_47, %swap3A_48], %add3A_46 {strides = array<i32>} : memref<1x256xf32, #tpu.memory_space<vmem>>, vector<1x256xf32>,
      %get3A_50 = arith.constant 0 : index
      %get3A_51 = arith.constant 0 : index
      %get3A_52 = vector.load %arg18[%get3A_50, %get3A_51] : memref<1x256xf32, #tpu.memory_space<vmem>>, vector<1x256xf32>
      %mul3A_53 = arith.mulf %dot_general3A_38, %dot_general3A_38 : vector<2000x256xf32>
      %reduce_sum3A_54 = arith.constant dense<0.000000e+00> : vector<256xf32>
      %reduce_sum3A_55 = vector.multi_reduction <add>, %mul3A_53, %reduce_sum3A_54 [0] : vector<2000x256xf32> to vector<256xf32>
      %broadcast_in_dim3A_56 = vector.shape_cast %reduce_sum3A_55 : vector<256xf32> to vector<1x256xf32>
      %add3A_57 = arith.addf %get3A_52, %broadcast_in_dim3A_56 : vector<1x256xf32>
      %swap3A_58 = arith.constant 0 : index
      %swap3A_59 = arith.constant 0 : index
      %swap3A_60 = vector.load %arg18[%swap3A_58, %swap3A_59] : memref<1x256xf32, #tpu.memory_space<vmem>>, vector<1x256xf32>
      tpu.vector_store %arg18[%swap3A_58, %swap3A_59], %add3A_57 {strides = array<i32>} : memref<1x256xf32, #tpu.memory_space<vmem>>, vector<1x256xf32>,
      %eq3A_61 = arith.constant 9 : i32
      %eq3A_62 = arith.cmpi eq, %arg0, %eq3A_61 : i32
      %convert_element_type3A_63 = arith.extui %eq3A_62 : i1 to i32
      %cond3A_64 = arith.constant 0 : i32
      %cond3A_65 = arith.cmpi ne, %convert_element_type3A_63, %cond3A_64 : i32
      scf.if %cond3A_65 {
        %get3A_66 = arith.constant 0 : index
        %get3A_67 = arith.constant 0 : index
        %get3A_68 = vector.load %arg17[%get3A_66, %get3A_67] : memref<1x256xf32, #tpu.memory_space<vmem>>, vector<1x256xf32>
        %div3A = arith.constant 1.000000e+04 : f32
        %div3A_69 = vector.broadcast %div3A : f32 to vector<1x256xf32>
        %div3A_70 = arith.divf %get3A_68, %div3A_69 : vector<1x256xf32>
        %get3A_71 = arith.constant 0 : index
        %get3A_72 = arith.constant 0 : index
        %get3A_73 = vector.load %arg18[%get3A_71, %get3A_72] : memref<1x256xf32, #tpu.memory_space<vmem>>, vector<1x256xf32>
        %div3A_74 = arith.constant 1.000000e+04 : f32
        %div3A_75 = vector.broadcast %div3A_74 : f32 to vector<1x256xf32>
        %div3A_76 = arith.divf %get3A_73, %div3A_75 : vector<1x256xf32>
        %mul3A_77 = arith.mulf %div3A_70, %div3A_70 : vector<1x256xf32>
        %sub3A_78 = arith.subf %div3A_76, %mul3A_77 : vector<1x256xf32>
        %get3A_79 = arith.constant 0 : index
        %get3A_80 = arith.constant 0 : index
        %get3A_81 = vector.load %arg7[%get3A_79, %get3A_80] : memref<1x256xf32, #tpu.memory_space<vmem>>, vector<1x256xf32>
        %add3A_82 = arith.constant 9.99999974E-6 : f32
        %add3A_83 = vector.broadcast %add3A_82 : f32 to vector<1x256xf32>
        %add3A_84 = arith.addf %sub3A_78, %add3A_83 : vector<1x256xf32>
        %rsqrt3A = math.rsqrt %add3A_84 : vector<1x256xf32>
        %mul3A_85 = arith.mulf %get3A_81, %rsqrt3A : vector<1x256xf32>
        %swap3A_86 = arith.constant 0 : index
        %swap3A_87 = arith.constant 0 : index
        %swap3A_88 = vector.load %arg19[%swap3A_86, %swap3A_87] : memref<1x256xf32, #tpu.memory_space<vmem>>, vector<1x256xf32>
        tpu.vector_store %arg19[%swap3A_86, %swap3A_87], %mul3A_85 {strides = array<i32>} : memref<1x256xf32, #tpu.memory_space<vmem>>, vector<1x256xf32>,
        %get3A_89 = arith.constant 0 : index
        %get3A_90 = arith.constant 0 : index
        %get3A_91 = vector.load %arg8[%get3A_89, %get3A_90] : memref<1x256xf32, #tpu.memory_space<vmem>>, vector<1x256xf32>
        %get3A_92 = arith.constant 0 : index
        %get3A_93 = arith.constant 0 : index
        %get3A_94 = vector.load %arg19[%get3A_92, %get3A_93] : memref<1x256xf32, #tpu.memory_space<vmem>>, vector<1x256xf32>
        %mul3A_95 = arith.mulf %div3A_70, %get3A_94 : vector<1x256xf32>
        %sub3A_96 = arith.subf %get3A_91, %mul3A_95 : vector<1x256xf32>
        %swap3A_97 = arith.constant 0 : index
        %swap3A_98 = arith.constant 0 : index
        %swap3A_99 = vector.load %arg20[%swap3A_97, %swap3A_98] : memref<1x256xf32, #tpu.memory_space<vmem>>, vector<1x256xf32>
        tpu.vector_store %arg20[%swap3A_97, %swap3A_98], %sub3A_96 {strides = array<i32>} : memref<1x256xf32, #tpu.memory_space<vmem>>, vector<1x256xf32>,
      } else {
      }
    } else {
    }
    %ge3A_12 = arith.constant 10 : i32
    %ge3A_13 = arith.cmpi sge, %arg0, %ge3A_12 : i32
    %convert_element_type3A_14 = arith.extui %ge3A_13 : i1 to i32
    %cond3A_15 = arith.constant 0 : i32
    %cond3A_16 = arith.cmpi ne, %convert_element_type3A_14, %cond3A_15 : i32
    scf.if %cond3A_16 {
      %sub3A = arith.constant 10 : i32
      %sub3A_17 = arith.subi %arg0, %sub3A : i32
      %mul3A = arith.constant 2000 : i32
      %mul3A_18 = arith.muli %sub3A_17, %mul3A : i32
      %get3A = arith.index_cast %mul3A_18 : i32 to index
      %get3A_19 = arith.constant 0 : index
      %get3A_20 = vector.load %arg16[%get3A, %get3A_19] : memref<10000x256xf32, #tpu.memory_space<vmem>>, vector<2000x256xf32>
      %get3A_21 = arith.constant 0 : index
      %get3A_22 = arith.constant 0 : index
      %get3A_23 = vector.load %arg19[%get3A_21, %get3A_22] : memref<1x256xf32, #tpu.memory_space<vmem>>, vector<1x256xf32>
      %mul3A_24 = vector.broadcast %get3A_23 : vector<1x256xf32> to vector<2000x256xf32>
      %mul3A_25 = arith.mulf %get3A_20, %mul3A_24 : vector<2000x256xf32>
      %get3A_26 = arith.constant 0 : index
      %get3A_27 = arith.constant 0 : index
      %get3A_28 = vector.load %arg20[%get3A_26, %get3A_27] : memref<1x256xf32, #tpu.memory_space<vmem>>, vector<1x256xf32>
      %add3A = vector.broadcast %get3A_28 : vector<1x256xf32> to vector<2000x256xf32>
      %add3A_29 = arith.addf %mul3A_25, %add3A : vector<2000x256xf32>
      %max3A = arith.constant 0.000000e+00 : f32
      %max3A_30 = vector.broadcast %max3A : f32 to vector<2000x256xf32>
      %max3A_31 = arith.maximumf %add3A_29, %max3A_30 : vector<2000x256xf32>
      %get3A_32 = arith.constant 0 : index
      %get3A_33 = arith.constant 0 : index
      %get3A_34 = vector.load %arg9[%get3A_32, %get3A_33] : memref<256x128xf32, #tpu.memory_space<vmem>>, vector<256x128xf32>
      %dot_general3A = arith.constant dense<0.000000e+00> : vector<2000x128xf32>
      %dot_general3A_35 = tpu.matmul %max3A_31, %get3A_34, %dot_general3A {dimension_numbers = #tpu.dot_dimension_numbers<[1], [0], [0], [1], [0, 0, 1, 1], [], []>, transpose_lhs_hint = false} : vector<2000x256xf32>, vector<256x128xf32>, vector<2000x128xf32> -> vector<2000x128xf32>
      %get3A_36 = arith.constant 0 : index
      %get3A_37 = arith.constant 0 : index
      %get3A_38 = vector.load %arg10[%get3A_36, %get3A_37] : memref<1x128xf32, #tpu.memory_space<vmem>>, vector<1x128xf32>
      %add3A_39 = vector.broadcast %get3A_38 : vector<1x128xf32> to vector<2000x128xf32>
      %add3A_40 = arith.addf %dot_general3A_35, %add3A_39 : vector<2000x128xf32>
      %swap3A = arith.constant 0 : index
      %swap3A_41 = arith.constant 0 : index
      %swap3A_42 = vector.load %arg11[%swap3A, %swap3A_41] : memref<2000x128xf32, #tpu.memory_space<vmem>>, vector<2000x128xf32>
      tpu.vector_store %arg11[%swap3A, %swap3A_41], %add3A_40 {strides = array<i32>} : memref<2000x128xf32, #tpu.memory_space<vmem>>, vector<2000x128xf32>,
    } else {
    }
    return
  }
  func.func @transform_0(%arg0: i32) -> (i32, i32) {
    %rem3A = arith.constant 5 : i32
    %rem3A_0 = arith.remsi %arg0, %rem3A : i32
    %c0_i32 = arith.constant 0 : i32
    %c0_i32_1 = arith.constant 0 : i32
    return %rem3A_0, %c0_i32 : i32, i32
  }
  func.func @transform_1(%arg0: i32) -> (i32, i32) {
    %rem3A = arith.constant 5 : i32
    %rem3A_0 = arith.remsi %arg0, %rem3A : i32
    %c0_i32 = arith.constant 0 : i32
    %c0_i32_1 = arith.constant 0 : i32
    return %rem3A_0, %c0_i32 : i32, i32
  }
  func.func @transform_2(%arg0: i32) -> (i32, i32) {
    %c0_i32 = arith.constant 0 : i32
    %c0_i32_0 = arith.constant 0 : i32
    %c0_i32_1 = arith.constant 0 : i32
    return %c0_i32, %c0_i32_0 : i32, i32
  }
  func.func @transform_3(%arg0: i32) -> (i32, i32) {
    %c0_i32 = arith.constant 0 : i32
    %c0_i32_0 = arith.constant 0 : i32
    %c0_i32_1 = arith.constant 0 : i32
    return %c0_i32, %c0_i32_0 : i32, i32
  }
  func.func @transform_4(%arg0: i32) -> (i32, i32) {
    %c0_i32 = arith.constant 0 : i32
    %c0_i32_0 = arith.constant 0 : i32
    %c0_i32_1 = arith.constant 0 : i32
    return %c0_i32, %c0_i32_0 : i32, i32
  }
  func.func @transform_5(%arg0: i32) -> (i32, i32) {
    %c0_i32 = arith.constant 0 : i32
    %c0_i32_0 = arith.constant 0 : i32
    %c0_i32_1 = arith.constant 0 : i32
    return %c0_i32, %c0_i32_0 : i32, i32
  }
  func.func @transform_6(%arg0: i32) -> (i32, i32) {
    %c0_i32 = arith.constant 0 : i32
    %c0_i32_0 = arith.constant 0 : i32
    %c0_i32_1 = arith.constant 0 : i32
    return %c0_i32, %c0_i32_0 : i32, i32
  }
  func.func @transform_7(%arg0: i32) -> (i32, i32) {
    %c0_i32 = arith.constant 0 : i32
    %c0_i32_0 = arith.constant 0 : i32
    %c0_i32_1 = arith.constant 0 : i32
    return %c0_i32, %c0_i32_0 : i32, i32
  }
  func.func @transform_8(%arg0: i32) -> (i32, i32) {
    %c0_i32 = arith.constant 0 : i32
    %c0_i32_0 = arith.constant 0 : i32
    %c0_i32_1 = arith.constant 0 : i32
    return %c0_i32, %c0_i32_0 : i32, i32
  }
  func.func @transform_9(%arg0: i32) -> (i32, i32) {
    %c0_i32 = arith.constant 0 : i32
    %c0_i32_0 = arith.constant 0 : i32
    %c0_i32_1 = arith.constant 0 : i32
    return %c0_i32, %c0_i32_0 : i32, i32
  }
  func.func @transform_10(%arg0: i32) -> (i32, i32) {
    %ge3A = arith.constant 10 : i32
    %ge3A_0 = arith.cmpi sge, %arg0, %ge3A : i32
    %sub3A = arith.constant 10 : i32
    %sub3A_1 = arith.subi %arg0, %sub3A : i32
    %jit3A = arith.constant 0 : i32
    %select_n3A = arith.select %ge3A_0, %sub3A_1, %jit3A : i32
    %c0_i32 = arith.constant 0 : i32
    %c0_i32_2 = arith.constant 0 : i32
    return %select_n3A, %c0_i32 : i32, i32
  }
}

</mosaic_0001>

<sc_bundles>
// kernel: kernel.10.cloned.1.call-start
scs
__scs_entry_jumppad:
0x0: {  	(pc) =	sbr.rel $0x88, $3  }
0x1: {  	(tag) =	ssettag $0x0;
	lr =	simm.s32 $0x1  }
0x2: {  	[smem:$0x3F90] =	sst lr;
	_ =	strace $0xD0000000  }
0x3: {  	_ = 	snop  }
0x4: {  	_ = 	snop  }
0x5: {  	_ = 	snop  }
0x6: {  	_ = 	snop  }
0x7: {  	_ = 	snop  }
__scs_overlays_trampoline_lowered:
0x8: {  	[smem:$0x3F9F] =	sst s0  }
0x9: {  	[smem:$0x3FA0] =	sst s1  }
0xa: {  	[smem:$0x3FA1] =	sst s2  }
0xb: {  	[smem:$0x3FA2] =	sst s3  }
0xc: {  	[smem:$0x3FA3] =	sst s4  }
0xd: {  	[smem:$0x3FA4] =	sst s5  }
0xe: {  	[smem:$0x3FA5] =	sst s6  }
0xf: {  	[smem:$0x3FA6] =	sst s7  }
0x10: {  	[smem:$0x3FA7] =	sst s8  }
0x11: {  	[smem:$0x3FA8] =	sst s9;
	s0 =	simm.s32 @!p0 $0x0  }
0x12: {  	s1 =	sld [smem:$0x3F8E];
	s0 =	simm.s32 @p0 $0x1  }
0x13: {  	[smem:$0x3FA9] =	sst s0;
	s0 =	simm.s32 @!p1 $0x0  }
0x14: {  	s2 =	sld [smem:$0x3F8D];
	s0 =	simm.s32 @p1 $0x1  }
0x15: {  	[smem:$0x3FAA] =	sst s0;
	s0 =	simm.s32 @!p2 $0x0  }
0x16: {  	s3 =	sld [smem:$0x3FDB];
	s0 =	simm.s32 @p2 $0x1  }
0x17: {  	s4 =	simm.s32 $0x1BF5;
	[smem:$0x3FAC] =	sst s0  }
0x18: {  	s0 =	sld [smem:$0x3F8F];
	_ =	swait.ge [sflag:s4], $0x0  }
0x19: {  	s7 =	sld [smem:$0x3F90]  }
0x1a: {  	s8 =	sadd.s32 $0xFFFFE003, lr  }
0x1b: {  	s9 =	sadd.s32 $0xFFFFFEF7, lr;
	s5 =	simm.s32 $0xFFFFFFFF;
	p2 =	slt.u32 s8, $0xFFFFF086  }
0x1c: {  	p1 =	slt.u32 s9, $0xF7A;
	s5 =	simm.s32 @!p2 $0x0  }
0x1d: {  	s5 =	simm.s32 @p1 $0x1;
	p0 =	seq.s32 s7, s2  }
0x1e: {  	s7 =	smul.u32 @!p0 $0xF7A, s2;
	p2 =	seq.s32 @!p0 s5, $0x0  }
0x1f: {  	s9 =	smul.u32 $0xF7A, s1;
	s8 =	simm.s32 @!p0 $0x1BF5;
	p2 =	por !p2, p0  }
0x20: {  	[sflag:s8] =	ssyncset.s32 @!p0 $0xFFFFF086;
	s6 =	sadd.s32 @!p0 s3, s7;
	s7 =	simm.s32 @!p0 $0x108  }
0x21: {  	s3 =	sadd.s32 s3, s9;
	s6 =	sadd.s32 @!p0 $0x88, s6;
	s7 =	simm.s32 @p2 $0x1082  }
0x22: {  	[simem:s7], [sflag:s8] =	dma.local @!p0 [hbm:s6], $0xF7A  }
0x23: {  	s9 =	sor.u32 $0xD0000000, s2;
	s6 =	simm.s32 $0x108;
	_ =	swait.ge @!p0 [sflag:s8], $0x0  }
0x24: {  	s3 =	sadd.s32 $0x88, s3;
	s6 =	simm.s32 @!p1 $0x1082;
	[sflag:s4] =	ssyncset.s32 $0xFFFFF086  }
0x25: {  	[simem:s6], [sflag:s4] =	dma.local [hbm:s3], $0xF7A  }
0x26: {  	[smem:$0x3F90] =	sst s1;
	(tag) =	ssettag s2;
	_ =	strace s9  }
0x27: {  	s1 =	sld [smem:$0x3FA0]  }
0x28: {  	s2 =	sld [smem:$0x3FA1]  }
0x29: {  	s4 =	sld [smem:$0x3FA3]  }
0x2a: {  	p0 =	seq.s32 s5, $0x0;
	s5 =	sld [smem:$0x3FA4]  }
0x2b: {  	s6 =	sld [smem:$0x3FA5]  }
0x2c: {  	s7 =	sld [smem:$0x3FA6]  }
0x2d: {  	s3 =	simm.s32 $0x108;
	s8 =	sld [smem:$0x3FA7]  }
0x2e: {  	s3 =	simm.s32 @!p0 $0x1082;
	s9 =	sld [smem:$0x3FA8]  }
0x2f: {  	lr =	sadd.s32 s0, s3;
	s0 =	sld [smem:$0x3F9F]  }
0x30: {  	s3 =	sld [smem:$0x3FA2]  }
0x31: {  	[smem:$0x3FAB] =	sst s10  }
0x32: {  	s10 =	sld [smem:$0x3FA9];
	_ =	sdelay $0x3  }
0x33: {  	p0 =	seq.s32 s10, $0x1;
	s10 =	sld [smem:$0x3FAB];
	_ =	sdelay $0x3  }
0x34: {  	[smem:$0x3FAB] =	sst s10  }
0x35: {  	s10 =	sld [smem:$0x3FAA];
	_ =	sdelay $0x3  }
0x36: {  	p1 =	seq.s32 s10, $0x1;
	s10 =	sld [smem:$0x3FAB];
	_ =	sdelay $0x3  }
0x37: {  	[smem:$0x3FAB] =	sst s10  }
0x38: {  	s10 =	sld [smem:$0x3FAC]  }
0x39: {  	_ = 	snop;
	(pc) =	sbr.ind lr, $3  }
0x3a: {  	_ = 	snop  }
0x3b: {  	_ = 	snop  }
0x3c: {  	p2 =	seq.s32 s10, $0x1;
	s10 =	sld [smem:$0x3FAB]  }
0x3d: {  	_ =	shalt  }
0x3e: {  	_ =	shalt  }
0x3f: {  	_ =	shalt  }
0x40: {  	_ =	shalt  }
0x41: {  	_ =	shalt  }
0x42: {  	_ =	shalt  }
0x43: {  	_ =	shalt  }
0x44: {  	_ =	shalt  }
0x45: {  	_ =	shalt  }
0x46: {  	_ =	shalt  }
0x47: {  	_ =	shalt  }
0x48: {  	_ =	shalt  }
0x49: {  	_ =	shalt  }
0x4a: {  	_ =	shalt  }
0x4b: {  	_ =	shalt  }
0x4c: {  	_ =	shalt  }
0x4d: {  	_ =	shalt  }
0x4e: {  	_ =	shalt  }
0x4f: {  	_ =	shalt  }
0x50: {  	_ =	shalt  }
0x51: {  	_ =	shalt  }
0x52: {  	_ =	shalt  }
0x53: {  	_ =	shalt  }
0x54: {  	_ =	shalt  }
0x55: {  	_ =	shalt  }
0x56: {  	_ =	shalt  }
0x57: {  	_ =	shalt  }
0x58: {  	_ =	shalt  }
0x59: {  	_ =	shalt  }
0x5a: {  	_ =	shalt  }
0x5b: {  	_ =	shalt  }
0x5c: {  	_ =	shalt  }
0x5d: {  	_ =	shalt  }
0x5e: {  	_ =	shalt  }
0x5f: {  	_ =	shalt  }
0x60: {  	_ =	shalt  }
0x61: {  	_ =	shalt  }
0x62: {  	_ =	shalt  }
0x63: {  	_ =	shalt  }
0x64: {  	_ =	shalt  }
0x65: {  	_ =	shalt  }
0x66: {  	_ =	shalt  }
0x67: {  	_ =	shalt  }
0x68: {  	_ =	shalt  }
0x69: {  	_ =	shalt  }
0x6a: {  	_ =	shalt  }
0x6b: {  	_ =	shalt  }
0x6c: {  	_ =	shalt  }
0x6d: {  	_ =	shalt  }
0x6e: {  	_ =	shalt  }
0x6f: {  	_ =	shalt  }
0x70: {  	_ =	shalt  }
0x71: {  	_ =	shalt  }
0x72: {  	_ =	shalt  }
0x73: {  	_ =	shalt  }
0x74: {  	_ =	shalt  }
0x75: {  	_ =	shalt  }
0x76: {  	_ =	shalt  }
0x77: {  	_ =	shalt  }
0x78: {  	_ =	shalt  }
0x79: {  	_ =	shalt  }
0x7a: {  	_ =	shalt  }
0x7b: {  	_ =	shalt  }
0x7c: {  	_ =	shalt  }
0x7d: {  	_ =	shalt  }
0x7e: {  	_ =	shalt  }
0x7f: {  	_ =	shalt  }
0x80: {  	_ =	shalt  }
0x81: {  	_ =	shalt  }
0x82: {  	_ =	shalt  }
0x83: {  	_ =	shalt  }
0x84: {  	_ =	shalt  }
0x85: {  	_ =	shalt  }
0x86: {  	_ =	shalt  }
0x87: {  	_ =	shalt  }
.Lfunc_end0:
.L_simem_size_0:
called_computation.1_lowered:
.L_overlay_start_0:
0x88: {  	s2 =	sld [smem:$0x3FD9]  }
0x89: {  	s3 =	sld [smem:$0x3FFE];
	_ =	sdelay $0x1  }
0x8a: {  	s1 =	srdreg.scid  }
0x8b: {  	s0 =	sand.u32 $0x1, s1  }
0x8c: {  	s17 =	sshll.u32 s0, $0xA;
	s2 =	sadd.s32 s3, s2  }
0x8d: {  	s2 =	sadd.s32 s2, s17  }
0x8e: {  	[smem:$0x3FB7] =	sst s2  }
0x8f: {  	_ = 	snop  }
0x90: {  	s2 =	sld [smem:$0x3FC7]  }
0x91: {  	s18 =	sld [smem:$0x3FD0];
	(tm) =	ssettm $0x1  }
0x92: {  	s4 =	sld [smem:$0x3FFB];
	_ =	sdelay $0x3  }
0x93: {  	_ =	strace s4  }
0x94: {  	s4 =	sld [smem:$0x3FFC];
	_ =	sdelay $0x3  }
0x95: {  	_ =	strace s4  }
0x96: {  	s4 =	sld [smem:$0x3FFD];
	_ =	sdelay $0x3  }
0x97: {  	_ =	strace s4  }
0x98: {  	_ =	strace $0x8FFFFFFF  }
0x99: {  	s19 =	sld [smem:$0x3FDB];
	_ =	sdelay $0x1  }
0x9a: {  	s5 =	simm.s32 $_scs_section_size  }
0x9b: {  	s6 =	simm.s32 $_size__tile_overlayer_lowered;
	s7 =	simm.s32 $_tile_overlayer_lowered  }
0x9c: {  	s22 =	simm.s32 $0x1BFF;
	s21 =	sshll.u32 s7, $0x1;
	s4 =	sadd.s32 s5, s19  }
0x9d: {  	s8 =	simm.s32 $0x0;
	s20 =	sshll.u32 s6, $0x1;
	s6 =	sadd.s32 s21, s4  }
0x9e: {  	[timem:s8], [sflag:s22] =	dma.local [hbm:s6], s20  }
0x9f: {  	_ =	swait.ge [sflag:s22], s20  }
0xa0: {  	s5 =	ssub.s32 $0x0, s20;
	[sflag:s22] =	ssyncset.done $0x0  }
0xa1: {  	[sflag:s22] =	ssyncadd.s32 s5;
	_ =	sdelay $0x1  }
0xa2: {  	s23 =	simm.s32 $0x1B8B  }
0xa3: {  	_ =	swait.ge [sflag:s23], $0x1  }
0xa4: {  	[sflag:s23] =	ssyncset.done $0x0  }
0xa5: {  	s25 =	simm.s32 $0x1B8E;
	s24 =	sld [smem:$0x3FFE];
	[sflag:s23] =	ssyncadd.s32 $0xFFFFFFFF  }
0xa6: {  	s26 =	simm.s32 $execute0_lowered;
	[smem:$0x3FD2] =	sst s25  }
0xa7: {  	s6 =	sshll.u32 s26, $0x1;
	_ =	strace $0x80000049;
	[dreg:$0x1] =	wrdreg $0xFFFFFFFF  }
0xa8: {  	s28 =	simm.s32 $_size_execute0_lowered;
	s4 =	sadd.s32 s4, s6;
	[dreg:$0x0] =	wrdreg $0x0  }
0xa9: {  	s6 =	sshll.u32 s28, $0x1;
	[dreg:$0x2] =	wrdreg s4  }
0xaa: {  	[dreg:$0x3] =	wrdreg s6  }
0xab: {  	[dreg:$0x4] =	wrdreg $0xC0  }
0xac: {  	_ =	task [dreg:s8], $0x5FFFF  }
0xad: {  	[dreg:$0x1] =	wrdreg $0xFFFFFFFF  }
0xae: {  	[dreg:$0x0] =	wrdreg $0x60  }
0xaf: {  	[dreg:$0x2] =	wrdreg s24  }
0xb0: {  	[dreg:$0x3] =	wrdreg s2  }
0xb1: {  	[dreg:$0x4] =	wrdreg s18  }
0xb2: {  	[dreg:$0x5] =	wrdreg $0x82000  }
0xb3: {  	[dreg:$0x6] =	wrdreg $0x9  }
0xb4: {  	_ =	task.clear_ibuf [dreg:s8], $0x7FFFF;
	_ =	strace $0x90000049  }
0xb5: {  	s29 =	simm.s32 $0x9;
	_ =	strace $0x8000004B  }
0xb6: {  	_ =	swait.ge [sflag:s29], $0x1  }
0xb7: {  	[sflag:s29] =	ssyncadd.s32 $0xFFFFFFFF  }
0xb8: {  	_ =	strace $0x9000004B  }
0xb9: {  	_ =	sfence  }
0xba: {  	s30 =	sld [smem:$0x0];
	_ =	sdelay $0x2  }
0xbb: {  	s31 =	sshll.u32 s1, $0xD;
	s1 =	sshrl.u32 s1, $0x2  }
0xbc: {  	s3 =	sand.u32 $0x4000, s31;
	s1 =	sadd.s32 s1, s30  }
0xbd: {  	s0 =	sor.u32 s3, s0;
	s1 =	sshll.u32 s1, $0x11  }
0xbe: {  	s0 =	sor.u32 s1, s0  }
0xbf: {  	s0 =	sadd.s32 $0x8F2B, s0  }
0xc0: {  	[sflag:s0] =	ssyncadd.remote.s32 $0x1  }
0xc1: {  	_ =	sfence.sel $0xFFFF  }
0xc2: {  	[dreg:$0x0] =	wrdreg $0xFFFFFFFF;
	(pc) =	sbr.abs _section_cstart, $3  }
0xc3: {  	[dreg:$0x1] =	wrdreg $0xFFFFFFFF  }
0xc4: {  	_ =	task.clear_ibuf [dreg:s8], $0x2FFFF;
	_ =	strace $0x9FFFFFFF  }
0xc5: {  	(tm) =	ssettm $0x7FFFFFFF  }
tec
execute0_lowered:
.L_overlay_start_1:
0x0: {  	(tag) =	ssettag $0x1  }
0x1: {  	s0 =	rddreg [dreg:$0x0]  }
0x2: {  	s1 =	rddreg [dreg:$0x1]  }
0x3: {  	s3 =	rddreg [dreg:$0x3];
	s5 =	simm.s32 $0x0;
	s2 =	srdreg.scid  }
0x4: {  	s22 =	stileid.u32;
	s28 =	simm.s32 $0x1;
	s29 =	simm.s32 $0x2  }
0x5: {  	s30 =	simm.s32 $0x0;
	[smem:$0x7FF] =	sst s5;
	s4 =	smul.u32 $0x2780, s22  }
0x6: {  	s2 =	sand.u32 $0x1, s2;
	s10 =	sshll.u32 s22, $0x1;
	s17 =	smul.u32 $0x4F000, s22  }
0x7: {  	s6 =	sadd.s32 $0x9C6E00, s0;
	s9 =	smul.u32 $0x27800, s2;
	s15 =	sor.u32 s2, s10  }
0x8: {  	s7 =	sadd.s32 $0x2E00, s0;
	s8 =	sadd.s32 $0x3000, s0;
	s16 =	smul.u32 $0x4E, s15  }
0x9: {  	s11 =	sshll.u32 s22, $0x6;
	p0 =	sgt.u32 s22, $0x1;
	s19 =	smul.u32 $0x2700, s15  }
0xa: {  	_ =	strace $0x8000004A;
	s2 =	ssub.s32 $0x2, s2;
	s21 =	smul.u32 $0x300, s15  }
0xb: {  	s18 =	sshrl.u32 s2, $0x1;
	s20 =	sshrl.u32 s17, $0x2;
	s24 =	smul.u32 $0x27000, s15  }
0xc: {  	s25 =	sshll.u32 s15, $0x4;
	s4 =	sadd.s32 s4, s9;
	s2 =	ssub.s32 s2, s18  }
0xd: {  	s9 =	sor.u32 $0x1C03, s11;
	s18 =	sshll.u32 s15, $0xB;
	s26 =	sadd.s32 s25, s1  }
0xe: {  	s25 =	simm.s32 $0x80;
	s0 =	sadd.s32 s4, s0;
	s4 =	sadd.s32 s20, s3  }
0xf: {  	s12 =	sor.u32 $0x1, s16;
	s13 =	sand.u32 $0x7FC00, s19;
	s10 =	sand.u32 $0x300, s21  }
0x10: {  	s15 =	sadd.s32 $0x3, s16;
	s31 =	sadd.s32 s18, s6;
	s19 =	smax.u32 s2, $0x1  }
0x11: {  	s21 =	simm.s32 $0x3;
	s14 =	sshll.u32 s12, $0x7;
	s10 =	sor.u32 s10, s13  }
0x12: {  	s17 =	sshll.u32 s12, $0xB;
	s18 =	sadd.s32 $0x3200, s0;
	s20 =	sshrl.u32 s4, $0x3  }
.Ltmp0:
0x13: {  	s23 =	sand.u32 $0x380, s14;
	s10 =	sshrl.u32 s10, $0x3;
	(pc) =	sbr.rel .LBB2_1-.Ltmp0, $4  }
0x14: {  	s14 =	sadd.s32 $0x2, s16;
	s16 =	sadd.s32 $0x9C00, s26;
	s26 =	simm.s32 $0x4100  }
0x15: {  	s11 =	sor.u32 s13, s23;
	s10 =	sadd.s32 s1, s10;
	s23 =	simm.s32 $0x8180  }
0x16: {  	s13 =	sshrl.u32 s11, $0x3;
	s11 =	sadd.s32 s6, s24;
	s24 =	simm.s32 $0x100  }
0x17: {  	s12 =	sadd.s32 s1, s13;
	s13 =	sadd.s32 s6, s17;
	s17 =	sadd.s32 $0x4E0000, s31  }
.LBB2_12:
0x18: {  	s30 =	sadd.s32 $0x1, s30  }
0x19: {  	p1 =	sne.s32 s30, s19  }
.Ltmp1:
0x1a: {  	[bflag:$0x0] =	sbarrier.arrive $0xFFFF;
	(pc) =	sbr.rel @!p1 .LBB2_13-.Ltmp1, $4  }
0x1b: {  	[hbm:s18], [sflag:s9] =	dma.local [spmem:s20], $0x2780  }
0x1c: {  	_ =	swait.ge [sflag:s21], $0x2780  }
0x1d: {  	[sflag:s21] =	ssyncset.done $0x0  }
0x1e: {  	[sflag:s21] =	ssyncadd.s32 $0xFFFFD880  }
.LBB2_1:
0x1f: {  	s0 =	rddreg [dreg:$0x2]  }
0x20: {  	[spmem:s20], [sflag:s9] =	dma.local [hbm:s0], $0x2780  }
0x21: {  	_ =	swait.ge [sflag:s21], $0x2780  }
0x22: {  	[sflag:s21] =	ssyncset.done $0x0  }
0x23: {  	s22 =	simm.s32 $0x8100;
	[sflag:s21] =	ssyncadd.s32 $0xFFFFD880  }
0x24: {  	[tilespmem:s22], [sflag:$0x3] =	stream.linear.gather [hbm4b:s7+s5], $0x80, $0x38;
	[tilespmem:$0x1BE00] =	vst v63  }
0x25: {  	_ =	swait.ge [sflag:s21], $0x80  }
0x26: {  	[sflag:s21] =	ssyncset.done $0x0  }
0x27: {  	[sflag:s21] =	ssyncadd.s32 $0xFFFFFF80  }
0x28: {  	[tilespmem:s23], [sflag:$0x3] =	stream.linear.gather [hbm4b:s8+s5], $0x80, $0x38;
	[tilespmem:$0x1BE00] =	vst v63  }
0x29: {  	_ =	swait.ge [sflag:s21], $0x80  }
0x2a: {  	[sflag:s21] =	ssyncset.done $0x0  }
0x2b: {  	[sflag:s21] =	ssyncadd.s32 $0xFFFFFF80  }
0x2c: {  	[bflag:$0x0] =	sbarrier.arrive $0xFFFF  }
0x2d: {  	v11 =	vld [tilespmem:$0x8100]  }
0x2e: {  	v12 =	vld [tilespmem:$0x8110]  }
0x2f: {  	v9 =	vld [tilespmem:$0x8120]  }
0x30: {  	v8 =	vld [tilespmem:$0x8130]  }
0x31: {  	v6 =	vld [tilespmem:$0x8140]  }
0x32: {  	v4 =	vld [tilespmem:$0x8150]  }
0x33: {  	v2 =	vld [tilespmem:$0x8160]  }
0x34: {  	v0 =	vld [tilespmem:$0x8170]  }
0x35: {  	v15 =	vld [tilespmem:$0x8180]  }
0x36: {  	v14 =	vld [tilespmem:$0x8190]  }
0x37: {  	v13 =	vld [tilespmem:$0x81A0]  }
0x38: {  	v10 =	vld [tilespmem:$0x81B0]  }
0x39: {  	v7 =	vld [tilespmem:$0x81C0]  }
0x3a: {  	v5 =	vld [tilespmem:$0x81D0]  }
0x3b: {  	v3 =	vld [tilespmem:$0x81E0]  }
0x3c: {  	v1 =	vld [tilespmem:$0x81F0];
	[tilespmem:s5], [sflag:$0x3] =	stream.linear.gather [hbm4b:s10+s5], $0x80, $0x38  }
0x3d: {  	_ =	swait.ge [sflag:s21], $0x80  }
0x3e: {  	[sflag:s21] =	ssyncset.done $0x0  }
0x3f: {  	[sflag:s21] =	ssyncadd.s32 $0xFFFFFF80  }
0x40: {  	[tilespmem:s24], [sflag:$0x1] =	stream.linear.gather [hbm4b:s11+s5], $0x4000, $0x38;
	[tilespmem:$0x1BE00] =	vst v63  }
0x41: {  	_ = 	snop  }
0x42: {  	[tilespmem:s25], [sflag:$0x3] =	stream.linear.gather [hbm4b:s12+s5], $0x80, $0x38;
	[tilespmem:$0x1BE00] =	vst v63  }
0x43: {  	_ =	swait.ge [sflag:s21], $0x80  }
0x44: {  	[sflag:s21] =	ssyncset.done $0x0  }
0x45: {  	s31 =	simm.s32 $0x0;
	[sflag:s21] =	ssyncadd.s32 $0xFFFFFF80  }
0x46: {  	[tilespmem:s26], [sflag:$0x2] =	stream.linear.gather [hbm4b:s13+s5], $0x4000, $0x38;
	[tilespmem:$0x1BE00] =	vst v63  }
.LBB2_2:
0x47: {  	_ =	swait.ge [sflag:s28], $0x4000  }
0x48: {  	[sflag:s28] =	ssyncset.done $0x0  }
0x49: {  	s0 =	simm.s32 $0x0;
	[sflag:s28] =	ssyncadd.s32 $0xFFFFC000  }
0x4a: {  	v16 =	vld [tilespmem:s0+$0x100]  }
0x4b: {  	v21 =	vld [tilespmem:s0+$0x110]  }
0x4c: {  	v20 =	vld [tilespmem:s0+$0x120]  }
0x4d: {  	v19 =	vld [tilespmem:s0+$0x130]  }
0x4e: {  	v18 =	vld [tilespmem:s0+$0x140]  }
0x4f: {  	v17 =	vld [tilespmem:s0+$0x150];
	v22 =	vmul.f32 v16, v11  }
0x50: {  	s4 =	simm.s32 $0x200;
	v21 =	vmul.f32 v21, v12;
	v16 =	vld [tilespmem:s0+$0x160]  }
.LBB2_3:
0x51: {  	p1 =	sne.s32 s4, $0xFE00;
	v22 =	vadd.f32 v22, v15;
	v20 =	vmul.f32 v20, v9;
	v23 =	vld [tilespmem:s0+$0x170]  }
0x52: {  	v21 =	vadd.f32 v21, v14;
	v19 =	vmul.f32 v19, v8  }
0x53: {  	v22 =	vmax.f32 v22, $0.0e+00;
	v20 =	vadd.f32 v20, v13;
	v18 =	vmul.f32 v18, v6  }
0x54: {  	s2 =	sshra.s32 s4, $0x2;
	[tilespmem:s0+$0x100] =	vst v22;
	v21 =	vmax.f32 v21, $0.0e+00;
	v19 =	vadd.f32 v19, v10;
	v17 =	vmul.f32 v17, v4  }
0x55: {  	v22 =	vld [tilespmem:s2+$0x100];
	[tilespmem:s0+$0x110] =	vst v21;
	v20 =	vmax.f32 v20, $0.0e+00;
	v18 =	vadd.f32 v18, v7;
	v16 =	vmul.f32 v16, v2  }
0x56: {  	v21 =	vld [tilespmem:s2+$0x110];
	[tilespmem:s0+$0x120] =	vst v20;
	v19 =	vmax.f32 v19, $0.0e+00;
	v17 =	vadd.f32 v17, v5;
	v23 =	vmul.f32 v23, v0  }
.Ltmp2:
0x57: {  	v20 =	vld [tilespmem:s2+$0x120];
	[tilespmem:s0+$0x130] =	vst v19;
	v18 =	vmax.f32 v18, $0.0e+00;
	v16 =	vadd.f32 v16, v3;
	(pc) =	sbr.rel @p1 .LBB2_3-.Ltmp2, $4  }
0x58: {  	v19 =	vld [tilespmem:s2+$0x130];
	[tilespmem:s0+$0x140] =	vst v18;
	v17 =	vmax.f32 v17, $0.0e+00;
	v23 =	vadd.f32 v23, v1  }
0x59: {  	v18 =	vld [tilespmem:s2+$0x140];
	[tilespmem:s0+$0x150] =	vst v17;
	v16 =	vmax.f32 v16, $0.0e+00  }
0x5a: {  	v22 =	vmul.f32 v22, v11;
	v17 =	vld [tilespmem:s2+$0x150];
	[tilespmem:s0+$0x160] =	vst v16;
	v23 =	vmax.f32 v23, $0.0e+00  }
0x5b: {  	s4 =	sadd.s32 $0x200, s4;
	v21 =	vmul.f32 v21, v12;
	v16 =	vld [tilespmem:s2+$0x160];
	[tilespmem:s0+$0x170] =	vst v23;
	s0 =	smov.u32 s2  }
0x5c: {  	v22 =	vadd.f32 v22, v15;
	v20 =	vmul.f32 v20, v9;
	v23 =	vld [tilespmem:s0+$0x170]  }
0x5d: {  	v21 =	vadd.f32 v21, v14;
	v19 =	vmul.f32 v19, v8  }
0x5e: {  	v22 =	vmax.f32 v22, $0.0e+00;
	v20 =	vadd.f32 v20, v13;
	v18 =	vmul.f32 v18, v6  }
0x5f: {  	[tilespmem:s0+$0x100] =	vst v22;
	v21 =	vmax.f32 v21, $0.0e+00;
	v19 =	vadd.f32 v19, v10;
	v17 =	vmul.f32 v17, v4  }
0x60: {  	[tilespmem:s0+$0x110] =	vst v21;
	v20 =	vmax.f32 v20, $0.0e+00;
	v18 =	vadd.f32 v18, v7;
	v16 =	vmul.f32 v16, v2  }
0x61: {  	[tilespmem:s0+$0x120] =	vst v20;
	v19 =	vmax.f32 v19, $0.0e+00;
	v17 =	vadd.f32 v17, v5;
	v20 =	vmul.f32 v23, v0  }
0x62: {  	[tilespmem:s0+$0x130] =	vst v19;
	v18 =	vmax.f32 v18, $0.0e+00;
	v16 =	vadd.f32 v16, v3  }
0x63: {  	[tilespmem:s0+$0x140] =	vst v18;
	v17 =	vmax.f32 v17, $0.0e+00;
	v18 =	vadd.f32 v20, v1  }
0x64: {  	[tilespmem:s0+$0x150] =	vst v17;
	v16 =	vmax.f32 v16, $0.0e+00  }
0x65: {  	[tilespmem:s0+$0x160] =	vst v16;
	v16 =	vmax.f32 v18, $0.0e+00  }
0x66: {  	[tilespmem:s0+$0x170] =	vst v16;
	s0 =	sshll.u32 s31, $0x1  }
0x67: {  	[spmem:s3] =	stream.indirect.scatter.add.f32 [tilespmem:s24], [sflag:$0x3], $0x80, s5, s25, $0xb8;
	[tilespmem:$0x1BE00] =	vst v63  }
0x68: {  	s2 =	sadd.s32 s0, s14  }
0x69: {  	_ =	swait.ge [sflag:s21], $0x4000;
	s4 =	sshll.u32 s2, $0x4  }
0x6a: {  	[sflag:s21] =	ssyncset.done $0x0;
	s4 =	sand.u32 $0xFFFFFE0, s4  }
0x6b: {  	p1 =	seq.s32 s31, $0x26;
	[sflag:s21] =	ssyncadd.s32 $0xFFFFC000;
	s4 =	sadd.s32 s1, s4  }
0x6c: {  	[tilespmem:s5], [sflag:$0x3] =	stream.linear.gather [hbm4b:s4+s5], $0x80, $0x38;
	[tilespmem:$0x1BE00] =	vst v63  }
0x6d: {  	s2 =	sshll.u32 @!p1 s2, $0xB;
	_ =	swait.ge [sflag:s21], $0x80  }
0x6e: {  	s22 =	simm.s32 @!p1 $0x100;
	s2 =	sand.u32 @!p1 $0x1FFFF000, s2;
	[sflag:s21] =	ssyncset.done $0x0  }
0x6f: {  	s2 =	sadd.s32 @!p1 s6, s2;
	s4 =	simm.s32 @!p1 $0x0;
	[sflag:s21] =	ssyncadd.s32 $0xFFFFFF80  }
0x70: {  	[tilespmem:s22], [sflag:$0x1] =	stream.linear.gather @!p1 [hbm4b:s2+s4], $0x4000, $0x38;
	[tilespmem:$0x1BE00] =	vst v63  }
0x71: {  	_ =	swait.ge [sflag:s29], $0x4000  }
0x72: {  	[sflag:s29] =	ssyncset.done $0x0  }
0x73: {  	s4 =	simm.s32 $0x0;
	[sflag:s29] =	ssyncadd.s32 $0xFFFFC000  }
0x74: {  	v16 =	vld [tilespmem:s4+$0x4100]  }
0x75: {  	v21 =	vld [tilespmem:s4+$0x4110]  }
0x76: {  	v20 =	vld [tilespmem:s4+$0x4120]  }
0x77: {  	v19 =	vld [tilespmem:s4+$0x4130]  }
0x78: {  	v18 =	vld [tilespmem:s4+$0x4140]  }
0x79: {  	v17 =	vld [tilespmem:s4+$0x4150];
	v22 =	vmul.f32 v16, v11  }
0x7a: {  	s2 =	simm.s32 $0x200;
	v21 =	vmul.f32 v21, v12;
	v16 =	vld [tilespmem:s4+$0x4160]  }
.LBB2_5:
0x7b: {  	p2 =	sne.s32 s2, $0xFE00;
	v22 =	vadd.f32 v22, v15;
	v20 =	vmul.f32 v20, v9;
	v23 =	vld [tilespmem:s4+$0x4170]  }
0x7c: {  	v21 =	vadd.f32 v21, v14;
	v19 =	vmul.f32 v19, v8  }
0x7d: {  	v22 =	vmax.f32 v22, $0.0e+00;
	v20 =	vadd.f32 v20, v13;
	v18 =	vmul.f32 v18, v6  }
0x7e: {  	s22 =	sshra.s32 s2, $0x2;
	[tilespmem:s4+$0x4100] =	vst v22;
	v21 =	vmax.f32 v21, $0.0e+00;
	v19 =	vadd.f32 v19, v10;
	v17 =	vmul.f32 v17, v4  }
0x7f: {  	v22 =	vld [tilespmem:s22+$0x4100];
	[tilespmem:s4+$0x4110] =	vst v21;
	v20 =	vmax.f32 v20, $0.0e+00;
	v18 =	vadd.f32 v18, v7;
	v16 =	vmul.f32 v16, v2  }
0x80: {  	v21 =	vld [tilespmem:s22+$0x4110];
	[tilespmem:s4+$0x4120] =	vst v20;
	v19 =	vmax.f32 v19, $0.0e+00;
	v17 =	vadd.f32 v17, v5;
	v23 =	vmul.f32 v23, v0  }
.Ltmp3:
0x81: {  	v20 =	vld [tilespmem:s22+$0x4120];
	[tilespmem:s4+$0x4130] =	vst v19;
	v18 =	vmax.f32 v18, $0.0e+00;
	v16 =	vadd.f32 v16, v3;
	(pc) =	sbr.rel @p2 .LBB2_5-.Ltmp3, $4  }
0x82: {  	v19 =	vld [tilespmem:s22+$0x4130];
	[tilespmem:s4+$0x4140] =	vst v18;
	v17 =	vmax.f32 v17, $0.0e+00;
	v23 =	vadd.f32 v23, v1  }
0x83: {  	v18 =	vld [tilespmem:s22+$0x4140];
	[tilespmem:s4+$0x4150] =	vst v17;
	v16 =	vmax.f32 v16, $0.0e+00  }
0x84: {  	v22 =	vmul.f32 v22, v11;
	v17 =	vld [tilespmem:s22+$0x4150];
	[tilespmem:s4+$0x4160] =	vst v16;
	v23 =	vmax.f32 v23, $0.0e+00  }
0x85: {  	s2 =	sadd.s32 $0x200, s2;
	v21 =	vmul.f32 v21, v12;
	v16 =	vld [tilespmem:s22+$0x4160];
	[tilespmem:s4+$0x4170] =	vst v23;
	s4 =	smov.u32 s22  }
0x86: {  	v22 =	vadd.f32 v22, v15;
	v20 =	vmul.f32 v20, v9;
	v23 =	vld [tilespmem:s4+$0x4170]  }
0x87: {  	v21 =	vadd.f32 v21, v14;
	v19 =	vmul.f32 v19, v8  }
0x88: {  	v22 =	vmax.f32 v22, $0.0e+00;
	v20 =	vadd.f32 v20, v13;
	v18 =	vmul.f32 v18, v6  }
0x89: {  	[tilespmem:s4+$0x4100] =	vst v22;
	v21 =	vmax.f32 v21, $0.0e+00;
	v19 =	vadd.f32 v19, v10;
	v17 =	vmul.f32 v17, v4  }
0x8a: {  	[tilespmem:s4+$0x4110] =	vst v21;
	v20 =	vmax.f32 v20, $0.0e+00;
	v18 =	vadd.f32 v18, v7;
	v16 =	vmul.f32 v16, v2  }
0x8b: {  	[tilespmem:s4+$0x4120] =	vst v20;
	v19 =	vmax.f32 v19, $0.0e+00;
	v17 =	vadd.f32 v17, v5;
	v62 =	vmul.f32 v23, v0  }
0x8c: {  	[tilespmem:s4+$0x4130] =	vst v19;
	v18 =	vmax.f32 v18, $0.0e+00;
	v16 =	vadd.f32 v16, v3  }
0x8d: {  	[tilespmem:s4+$0x4140] =	vst v18;
	v17 =	vmax.f32 v17, $0.0e+00;
	v63 =	vadd.f32 v62, v1  }
0x8e: {  	[tilespmem:s4+$0x4150] =	vst v17;
	v16 =	vmax.f32 v16, $0.0e+00  }
0x8f: {  	[tilespmem:s4+$0x4160] =	vst v16;
	v16 =	vmax.f32 v63, $0.0e+00  }
0x90: {  	s0 =	sadd.s32 s0, s15;
	[tilespmem:s4+$0x4170] =	vst v16  }
0x91: {  	[spmem:s3] =	stream.indirect.scatter.add.f32 [tilespmem:s26], [sflag:$0x3], $0x80, s25, s25, $0xb8;
	[tilespmem:$0x1BE00] =	vst v63  }
0x92: {  	s2 =	sshll.u32 s0, $0x4;
	_ =	swait.ge [sflag:s21], $0x4000  }
0x93: {  	s2 =	sand.u32 $0xFFFFFF0, s2;
	[sflag:s21] =	ssyncset.done $0x0  }
.Ltmp4:
0x94: {  	s2 =	sadd.s32 s1, s2;
	[sflag:s21] =	ssyncadd.s32 $0xFFFFC000;
	(pc) =	sbr.rel @p1 .LBB2_8-.Ltmp4, $4  }
0x95: {  	[tilespmem:s25], [sflag:$0x3] =	stream.linear.gather [hbm4b:s2+s5], $0x80, $0x38;
	[tilespmem:$0x1BE00] =	vst v63  }
0x96: {  	_ =	swait.ge [sflag:s21], $0x80  }
0x97: {  	[sflag:s21] =	ssyncset.done $0x0  }
0x98: {  	[sflag:s21] =	ssyncadd.s32 $0xFFFFFF80  }
.Ltmp5:
0x99: {  	(pc) =	sbr.rel .LBB2_2-.Ltmp5, $4  }
0x9a: {  	s0 =	sshll.u32 s0, $0xB  }
0x9b: {  	s0 =	sand.u32 $0x1FFFF800, s0  }
0x9c: {  	s31 =	sadd.s32 $0x1, s31;
	s0 =	sadd.s32 s6, s0  }
0x9d: {  	[tilespmem:s26], [sflag:$0x2] =	stream.linear.gather [hbm4b:s0+s5], $0x4000, $0x38;
	[tilespmem:$0x1BE00] =	vst v63  }
.LBB2_8:
.Ltmp6:
0x9e: {  	(pc) =	sbr.rel @p0 .LBB2_12-.Ltmp6, $1  }
0x9f: {  	_ =	sdelay $0x3  }
0xa0: {  	s0 =	simm.s32 $0x0  }
0xa1: {  	[tilespmem:s0], [sflag:$0x3] =	stream.linear.gather [hbm4b:s16+s0], $0x80, $0x38;
	[tilespmem:$0x1BE00] =	vst v63  }
0xa2: {  	_ =	swait.ge [sflag:s21], $0x80  }
0xa3: {  	[sflag:s21] =	ssyncset.done $0x0  }
0xa4: {  	[sflag:s21] =	ssyncadd.s32 $0xFFFFFF80  }
0xa5: {  	[tilespmem:s24], [sflag:$0x3] =	stream.linear.gather [hbm4b:s17+s0], $0x4000, $0x38;
	[tilespmem:$0x1BE00] =	vst v63  }
0xa6: {  	_ =	swait.ge [sflag:s21], $0x4000  }
0xa7: {  	[sflag:s21] =	ssyncset.done $0x0  }
0xa8: {  	s0 =	simm.s32 $0x0;
	[sflag:s21] =	ssyncadd.s32 $0xFFFFC000  }
0xa9: {  	v16 =	vld [tilespmem:s0+$0x100]  }
0xaa: {  	v21 =	vld [tilespmem:s0+$0x110]  }
0xab: {  	v20 =	vld [tilespmem:s0+$0x120]  }
0xac: {  	v19 =	vld [tilespmem:s0+$0x130]  }
0xad: {  	v18 =	vld [tilespmem:s0+$0x140]  }
0xae: {  	v17 =	vld [tilespmem:s0+$0x150];
	v22 =	vmul.f32 v16, v11  }
0xaf: {  	s2 =	simm.s32 $0x200;
	v21 =	vmul.f32 v21, v12;
	v16 =	vld [tilespmem:s0+$0x160]  }
.LBB2_10:
0xb0: {  	p1 =	sne.s32 s2, $0xFE00;
	v22 =	vadd.f32 v22, v15;
	v20 =	vmul.f32 v20, v9;
	v23 =	vld [tilespmem:s0+$0x170]  }
0xb1: {  	v21 =	vadd.f32 v21, v14;
	v19 =	vmul.f32 v19, v8  }
0xb2: {  	v22 =	vmax.f32 v22, $0.0e+00;
	v20 =	vadd.f32 v20, v13;
	v18 =	vmul.f32 v18, v6  }
0xb3: {  	s4 =	sshra.s32 s2, $0x2;
	[tilespmem:s0+$0x100] =	vst v22;
	v21 =	vmax.f32 v21, $0.0e+00;
	v19 =	vadd.f32 v19, v10;
	v17 =	vmul.f32 v17, v4  }
0xb4: {  	v22 =	vld [tilespmem:s4+$0x100];
	[tilespmem:s0+$0x110] =	vst v21;
	v20 =	vmax.f32 v20, $0.0e+00;
	v18 =	vadd.f32 v18, v7;
	v16 =	vmul.f32 v16, v2  }
0xb5: {  	v21 =	vld [tilespmem:s4+$0x110];
	[tilespmem:s0+$0x120] =	vst v20;
	v19 =	vmax.f32 v19, $0.0e+00;
	v17 =	vadd.f32 v17, v5;
	v23 =	vmul.f32 v23, v0  }
.Ltmp7:
0xb6: {  	v20 =	vld [tilespmem:s4+$0x120];
	[tilespmem:s0+$0x130] =	vst v19;
	v18 =	vmax.f32 v18, $0.0e+00;
	v16 =	vadd.f32 v16, v3;
	(pc) =	sbr.rel @p1 .LBB2_10-.Ltmp7, $4  }
0xb7: {  	v19 =	vld [tilespmem:s4+$0x130];
	[tilespmem:s0+$0x140] =	vst v18;
	v17 =	vmax.f32 v17, $0.0e+00;
	v23 =	vadd.f32 v23, v1  }
0xb8: {  	v18 =	vld [tilespmem:s4+$0x140];
	[tilespmem:s0+$0x150] =	vst v17;
	v16 =	vmax.f32 v16, $0.0e+00  }
0xb9: {  	v22 =	vmul.f32 v22, v11;
	v17 =	vld [tilespmem:s4+$0x150];
	[tilespmem:s0+$0x160] =	vst v16;
	v23 =	vmax.f32 v23, $0.0e+00  }
0xba: {  	s2 =	sadd.s32 $0x200, s2;
	v21 =	vmul.f32 v21, v12;
	v16 =	vld [tilespmem:s4+$0x160];
	[tilespmem:s0+$0x170] =	vst v23;
	s0 =	smov.u32 s4  }
0xbb: {  	v11 =	vadd.f32 v22, v15;
	v9 =	vmul.f32 v20, v9;
	v12 =	vld [tilespmem:s0+$0x170]  }
0xbc: {  	v14 =	vadd.f32 v21, v14;
	v8 =	vmul.f32 v19, v8  }
0xbd: {  	v11 =	vmax.f32 v11, $0.0e+00;
	v9 =	vadd.f32 v9, v13;
	v6 =	vmul.f32 v18, v6  }
0xbe: {  	[tilespmem:s0+$0x100] =	vst v11;
	v59 =	vmax.f32 v14, $0.0e+00;
	v8 =	vadd.f32 v8, v10;
	v4 =	vmul.f32 v17, v4  }
0xbf: {  	[tilespmem:s0+$0x110] =	vst v59;
	v9 =	vmax.f32 v9, $0.0e+00;
	v6 =	vadd.f32 v6, v7;
	v2 =	vmul.f32 v16, v2  }
0xc0: {  	[tilespmem:s0+$0x120] =	vst v9;
	v60 =	vmax.f32 v8, $0.0e+00;
	v4 =	vadd.f32 v4, v5;
	v0 =	vmul.f32 v12, v0  }
0xc1: {  	[tilespmem:s0+$0x130] =	vst v60;
	v61 =	vmax.f32 v6, $0.0e+00;
	v2 =	vadd.f32 v2, v3  }
0xc2: {  	[tilespmem:s0+$0x140] =	vst v61;
	v62 =	vmax.f32 v4, $0.0e+00;
	v0 =	vadd.f32 v0, v1  }
0xc3: {  	[tilespmem:s0+$0x150] =	vst v62;
	v63 =	vmax.f32 v2, $0.0e+00  }
0xc4: {  	[tilespmem:s0+$0x160] =	vst v63;
	v0 =	vmax.f32 v0, $0.0e+00  }
.Ltmp8:
0xc5: {  	[tilespmem:s0+$0x170] =	vst v0;
	(pc) =	sbr.rel .LBB2_12-.Ltmp8, $4  }
0xc6: {  	[spmem:s3] =	stream.indirect.scatter.add.f32 [tilespmem:s24], [sflag:$0x3], $0x80, s5, s25, $0xb8;
	[tilespmem:$0x1BE00] =	vst v63  }
0xc7: {  	_ =	swait.ge [sflag:s21], $0x4000  }
0xc8: {  	[sflag:s21] =	ssyncset.done $0x0  }
0xc9: {  	[sflag:s21] =	ssyncadd.s32 $0xFFFFC000  }
.LBB2_13:
0xca: {  	_ =	sfence.sel $0x180000  }
0xcb: {  	[bflag:$0x0] =	sbarrier.arrive $0xFFFF  }
0xcc: {  	_ =	strace $0x9000004A  }
0xcd: {  	s0 =	stileid.u32;
	[bflag:$0x2] =	sbarrier.arrive $0xFFFF  }
0xce: {  	p0 =	sne.s32 s0, $0x0;
	s0 =	rddreg [dreg:$0x4]  }
0xcf: {  	s0 =	sadd.s32 @!p0 $0x100000, s0  }
0xd0: {  	[sflag:s0] =	ssyncadd.tile.s32 @!p0 $0x1;
	_ =	shalt  }
.Lfunc_end2:
_tile_overlayer_lowered:
.L_overlay_start_2:
0xd1: {  	(tag) =	ssettag $0x2  }
0xd2: {  	s0 =	rddreg [dreg:$0x0];
	s2 =	stileid.u32  }
0xd3: {  	s1 =	rddreg [dreg:$0x1];
	p0 =	sne.s32 s2, $0x0  }
0xd4: {  	s3 =	rddreg [dreg:$0x2];
	[bflag:$0x3] =	sbarrier.arrive $0xFFFF;
	s2 =	simm.s32 @!p0 $0x1C03  }
0xd5: {  	[timem:s3], [sflag:s2] =	dma.local @!p0 [hbm:s0], s1  }
0xd6: {  	s0 =	simm.s32 @!p0 $0x3  }
0xd7: {  	_ =	swait.ge @!p0 [sflag:s0], s1  }
0xd8: {  	s1 =	ssub.s32 @!p0 $0x0, s1;
	[sflag:s0] =	ssyncset.done @!p0 $0x0  }
0xd9: {  	[sflag:s0] =	ssyncadd.s32 @!p0 s1  }
0xda: {  	[bflag:$0x3] =	sbarrier.arrive $0xFFFF  }
0xdb: {  	_ =	shalt  }

// kernel: kernel.7.cloned.1.call-start
scs
__scs_entry_jumppad:
0x0: {  	(pc) =	sbr.rel $0x88, $3  }
0x1: {  	(tag) =	ssettag $0x0;
	lr =	simm.s32 $0x1  }
0x2: {  	[smem:$0x3F90] =	sst lr;
	_ =	strace $0xD0000000  }
0x3: {  	_ = 	snop  }
0x4: {  	_ = 	snop  }
0x5: {  	_ = 	snop  }
0x6: {  	_ = 	snop  }
0x7: {  	_ = 	snop  }
__scs_overlays_trampoline_lowered:
0x8: {  	[smem:$0x3F9F] =	sst s0  }
0x9: {  	[smem:$0x3FA0] =	sst s1  }
0xa: {  	[smem:$0x3FA1] =	sst s2  }
0xb: {  	[smem:$0x3FA2] =	sst s3  }
0xc: {  	[smem:$0x3FA3] =	sst s4  }
0xd: {  	[smem:$0x3FA4] =	sst s5  }
0xe: {  	[smem:$0x3FA5] =	sst s6  }
0xf: {  	[smem:$0x3FA6] =	sst s7  }
0x10: {  	[smem:$0x3FA7] =	sst s8  }
0x11: {  	[smem:$0x3FA8] =	sst s9;
	s0 =	simm.s32 @!p0 $0x0  }
0x12: {  	s1 =	sld [smem:$0x3F8E];
	s0 =	simm.s32 @p0 $0x1  }
0x13: {  	[smem:$0x3FA9] =	sst s0;
	s0 =	simm.s32 @!p1 $0x0  }
0x14: {  	s2 =	sld [smem:$0x3F8D];
	s0 =	simm.s32 @p1 $0x1  }
0x15: {  	[smem:$0x3FAA] =	sst s0;
	s0 =	simm.s32 @!p2 $0x0  }
0x16: {  	s3 =	sld [smem:$0x3FDB];
	s0 =	simm.s32 @p2 $0x1  }
0x17: {  	s4 =	simm.s32 $0x1BF5;
	[smem:$0x3FAC] =	sst s0  }
0x18: {  	s0 =	sld [smem:$0x3F8F];
	_ =	swait.ge [sflag:s4], $0x0  }
0x19: {  	s7 =	sld [smem:$0x3F90]  }
0x1a: {  	s8 =	sadd.s32 $0xFFFFE003, lr  }
0x1b: {  	s9 =	sadd.s32 $0xFFFFFEF7, lr;
	s5 =	simm.s32 $0xFFFFFFFF;
	p2 =	slt.u32 s8, $0xFFFFF086  }
0x1c: {  	p1 =	slt.u32 s9, $0xF7A;
	s5 =	simm.s32 @!p2 $0x0  }
0x1d: {  	s5 =	simm.s32 @p1 $0x1;
	p0 =	seq.s32 s7, s2  }
0x1e: {  	s7 =	smul.u32 @!p0 $0xF7A, s2;
	p2 =	seq.s32 @!p0 s5, $0x0  }
0x1f: {  	s9 =	smul.u32 $0xF7A, s1;
	s8 =	simm.s32 @!p0 $0x1BF5;
	p2 =	por !p2, p0  }
0x20: {  	[sflag:s8] =	ssyncset.s32 @!p0 $0xFFFFF086;
	s6 =	sadd.s32 @!p0 s3, s7;
	s7 =	simm.s32 @!p0 $0x108  }
0x21: {  	s3 =	sadd.s32 s3, s9;
	s6 =	sadd.s32 @!p0 $0x88, s6;
	s7 =	simm.s32 @p2 $0x1082  }
0x22: {  	[simem:s7], [sflag:s8] =	dma.local @!p0 [hbm:s6], $0xF7A  }
0x23: {  	s9 =	sor.u32 $0xD0000000, s2;
	s6 =	simm.s32 $0x108;
	_ =	swait.ge @!p0 [sflag:s8], $0x0  }
0x24: {  	s3 =	sadd.s32 $0x88, s3;
	s6 =	simm.s32 @!p1 $0x1082;
	[sflag:s4] =	ssyncset.s32 $0xFFFFF086  }
0x25: {  	[simem:s6], [sflag:s4] =	dma.local [hbm:s3], $0xF7A  }
0x26: {  	[smem:$0x3F90] =	sst s1;
	(tag) =	ssettag s2;
	_ =	strace s9  }
0x27: {  	s1 =	sld [smem:$0x3FA0]  }
0x28: {  	s2 =	sld [smem:$0x3FA1]  }
0x29: {  	s4 =	sld [smem:$0x3FA3]  }
0x2a: {  	p0 =	seq.s32 s5, $0x0;
	s5 =	sld [smem:$0x3FA4]  }
0x2b: {  	s6 =	sld [smem:$0x3FA5]  }
0x2c: {  	s7 =	sld [smem:$0x3FA6]  }
0x2d: {  	s3 =	simm.s32 $0x108;
	s8 =	sld [smem:$0x3FA7]  }
0x2e: {  	s3 =	simm.s32 @!p0 $0x1082;
	s9 =	sld [smem:$0x3FA8]  }
0x2f: {  	lr =	sadd.s32 s0, s3;
	s0 =	sld [smem:$0x3F9F]  }
0x30: {  	s3 =	sld [smem:$0x3FA2]  }
0x31: {  	[smem:$0x3FAB] =	sst s10  }
0x32: {  	s10 =	sld [smem:$0x3FA9];
	_ =	sdelay $0x3  }
0x33: {  	p0 =	seq.s32 s10, $0x1;
	s10 =	sld [smem:$0x3FAB];
	_ =	sdelay $0x3  }
0x34: {  	[smem:$0x3FAB] =	sst s10  }
0x35: {  	s10 =	sld [smem:$0x3FAA];
	_ =	sdelay $0x3  }
0x36: {  	p1 =	seq.s32 s10, $0x1;
	s10 =	sld [smem:$0x3FAB];
	_ =	sdelay $0x3  }
0x37: {  	[smem:$0x3FAB] =	sst s10  }
0x38: {  	s10 =	sld [smem:$0x3FAC]  }
0x39: {  	_ = 	snop;
	(pc) =	sbr.ind lr, $3  }
0x3a: {  	_ = 	snop  }
0x3b: {  	_ = 	snop  }
0x3c: {  	p2 =	seq.s32 s10, $0x1;
	s10 =	sld [smem:$0x3FAB]  }
0x3d: {  	_ =	shalt  }
0x3e: {  	_ =	shalt  }
0x3f: {  	_ =	shalt  }
0x40: {  	_ =	shalt  }
0x41: {  	_ =	shalt  }
0x42: {  	_ =	shalt  }
0x43: {  	_ =	shalt  }
0x44: {  	_ =	shalt  }
0x45: {  	_ =	shalt  }
0x46: {  	_ =	shalt  }
0x47: {  	_ =	shalt  }
0x48: {  	_ =	shalt  }
0x49: {  	_ =	shalt  }
0x4a: {  	_ =	shalt  }
0x4b: {  	_ =	shalt  }
0x4c: {  	_ =	shalt  }
0x4d: {  	_ =	shalt  }
0x4e: {  	_ =	shalt  }
0x4f: {  	_ =	shalt  }
0x50: {  	_ =	shalt  }
0x51: {  	_ =	shalt  }
0x52: {  	_ =	shalt  }
0x53: {  	_ =	shalt  }
0x54: {  	_ =	shalt  }
0x55: {  	_ =	shalt  }
0x56: {  	_ =	shalt  }
0x57: {  	_ =	shalt  }
0x58: {  	_ =	shalt  }
0x59: {  	_ =	shalt  }
0x5a: {  	_ =	shalt  }
0x5b: {  	_ =	shalt  }
0x5c: {  	_ =	shalt  }
0x5d: {  	_ =	shalt  }
0x5e: {  	_ =	shalt  }
0x5f: {  	_ =	shalt  }
0x60: {  	_ =	shalt  }
0x61: {  	_ =	shalt  }
0x62: {  	_ =	shalt  }
0x63: {  	_ =	shalt  }
0x64: {  	_ =	shalt  }
0x65: {  	_ =	shalt  }
0x66: {  	_ =	shalt  }
0x67: {  	_ =	shalt  }
0x68: {  	_ =	shalt  }
0x69: {  	_ =	shalt  }
0x6a: {  	_ =	shalt  }
0x6b: {  	_ =	shalt  }
0x6c: {  	_ =	shalt  }
0x6d: {  	_ =	shalt  }
0x6e: {  	_ =	shalt  }
0x6f: {  	_ =	shalt  }
0x70: {  	_ =	shalt  }
0x71: {  	_ =	shalt  }
0x72: {  	_ =	shalt  }
0x73: {  	_ =	shalt  }
0x74: {  	_ =	shalt  }
0x75: {  	_ =	shalt  }
0x76: {  	_ =	shalt  }
0x77: {  	_ =	shalt  }
0x78: {  	_ =	shalt  }
0x79: {  	_ =	shalt  }
0x7a: {  	_ =	shalt  }
0x7b: {  	_ =	shalt  }
0x7c: {  	_ =	shalt  }
0x7d: {  	_ =	shalt  }
0x7e: {  	_ =	shalt  }
0x7f: {  	_ =	shalt  }
0x80: {  	_ =	shalt  }
0x81: {  	_ =	shalt  }
0x82: {  	_ =	shalt  }
0x83: {  	_ =	shalt  }
0x84: {  	_ =	shalt  }
0x85: {  	_ =	shalt  }
0x86: {  	_ =	shalt  }
0x87: {  	_ =	shalt  }
.Lfunc_end0:
.L_simem_size_0:
called_computation_lowered:
.L_overlay_start_0:
0x88: {  	s2 =	sld [smem:$0x3FD9]  }
0x89: {  	s3 =	sld [smem:$0x3FFE];
	_ =	sdelay $0x1  }
0x8a: {  	s1 =	srdreg.scid  }
0x8b: {  	s0 =	sand.u32 $0x1, s1  }
0x8c: {  	s17 =	sshll.u32 s0, $0xA;
	s2 =	sadd.s32 s3, s2  }
0x8d: {  	s2 =	sadd.s32 s2, s17  }
0x8e: {  	[smem:$0x3FB7] =	sst s2  }
0x8f: {  	_ = 	snop  }
0x90: {  	s2 =	sld [smem:$0x3FC7]  }
0x91: {  	s18 =	sld [smem:$0x3FD0];
	(tm) =	ssettm $0x1  }
0x92: {  	s4 =	sld [smem:$0x3FFB];
	_ =	sdelay $0x3  }
0x93: {  	_ =	strace s4  }
0x94: {  	s4 =	sld [smem:$0x3FFC];
	_ =	sdelay $0x3  }
0x95: {  	_ =	strace s4  }
0x96: {  	s4 =	sld [smem:$0x3FFD];
	_ =	sdelay $0x3  }
0x97: {  	_ =	strace s4  }
0x98: {  	_ =	strace $0x8FFFFFFF  }
0x99: {  	s19 =	sld [smem:$0x3FDB];
	_ =	sdelay $0x1  }
0x9a: {  	s5 =	simm.s32 $_scs_section_size  }
0x9b: {  	s6 =	simm.s32 $_size__tile_overlayer_lowered;
	s7 =	simm.s32 $_tile_overlayer_lowered  }
0x9c: {  	s22 =	simm.s32 $0x1BFF;
	s21 =	sshll.u32 s7, $0x1;
	s4 =	sadd.s32 s5, s19  }
0x9d: {  	s8 =	simm.s32 $0x0;
	s20 =	sshll.u32 s6, $0x1;
	s6 =	sadd.s32 s21, s4  }
0x9e: {  	[timem:s8], [sflag:s22] =	dma.local [hbm:s6], s20  }
0x9f: {  	_ =	swait.ge [sflag:s22], s20  }
0xa0: {  	s5 =	ssub.s32 $0x0, s20;
	[sflag:s22] =	ssyncset.done $0x0  }
0xa1: {  	[sflag:s22] =	ssyncadd.s32 s5;
	_ =	sdelay $0x1  }
0xa2: {  	s23 =	simm.s32 $0x1B8B  }
0xa3: {  	_ =	swait.ge [sflag:s23], $0x1  }
0xa4: {  	[sflag:s23] =	ssyncset.done $0x0  }
0xa5: {  	s25 =	simm.s32 $0x1B8E;
	s24 =	sld [smem:$0x3FFE];
	[sflag:s23] =	ssyncadd.s32 $0xFFFFFFFF  }
0xa6: {  	s26 =	simm.s32 $execute0_lowered;
	[smem:$0x3FD2] =	sst s25  }
0xa7: {  	s6 =	sshll.u32 s26, $0x1;
	_ =	strace $0x80000046;
	[dreg:$0x1] =	wrdreg $0xFFFFFFFF  }
0xa8: {  	s28 =	simm.s32 $_size_execute0_lowered;
	s4 =	sadd.s32 s4, s6;
	[dreg:$0x0] =	wrdreg $0x0  }
0xa9: {  	s6 =	sshll.u32 s28, $0x1;
	[dreg:$0x2] =	wrdreg s4  }
0xaa: {  	[dreg:$0x3] =	wrdreg s6  }
0xab: {  	[dreg:$0x4] =	wrdreg $0xC0  }
0xac: {  	_ =	task [dreg:s8], $0x5FFFF  }
0xad: {  	[dreg:$0x1] =	wrdreg $0xFFFFFFFF  }
0xae: {  	[dreg:$0x0] =	wrdreg $0x60  }
0xaf: {  	[dreg:$0x2] =	wrdreg s18  }
0xb0: {  	[dreg:$0x3] =	wrdreg s2  }
0xb1: {  	[dreg:$0x4] =	wrdreg s24  }
0xb2: {  	[dreg:$0x5] =	wrdreg $0x9  }
0xb3: {  	_ =	task.clear_ibuf [dreg:s8], $0x6FFFF;
	_ =	strace $0x90000046  }
0xb4: {  	s29 =	simm.s32 $0x9;
	_ =	strace $0x80000048  }
0xb5: {  	_ =	swait.ge [sflag:s29], $0x1  }
0xb6: {  	[sflag:s29] =	ssyncadd.s32 $0xFFFFFFFF  }
0xb7: {  	_ =	strace $0x90000048  }
0xb8: {  	_ =	sfence  }
0xb9: {  	s30 =	sld [smem:$0x0];
	_ =	sdelay $0x2  }
0xba: {  	s31 =	sshll.u32 s1, $0xD;
	s1 =	sshrl.u32 s1, $0x2  }
0xbb: {  	s3 =	sand.u32 $0x4000, s31;
	s1 =	sadd.s32 s1, s30  }
0xbc: {  	s0 =	sor.u32 s3, s0;
	s1 =	sshll.u32 s1, $0x11  }
0xbd: {  	s0 =	sor.u32 s1, s0  }
0xbe: {  	s0 =	sadd.s32 $0x8F2B, s0  }
0xbf: {  	[sflag:s0] =	ssyncadd.remote.s32 $0x1  }
0xc0: {  	_ =	sfence.sel $0xFFFF  }
0xc1: {  	[dreg:$0x0] =	wrdreg $0xFFFFFFFF;
	(pc) =	sbr.abs _section_cstart, $3  }
0xc2: {  	[dreg:$0x1] =	wrdreg $0xFFFFFFFF  }
0xc3: {  	_ =	task.clear_ibuf [dreg:s8], $0x2FFFF;
	_ =	strace $0x9FFFFFFF  }
0xc4: {  	(tm) =	ssettm $0x7FFFFFFF  }
0xc5: {  	_ =	shalt  }
tec
execute0_lowered:
.L_overlay_start_1:
0x0: {  	(tag) =	ssettag $0x1  }
0x1: {  	s1 =	rddreg [dreg:$0x0]  }
0x2: {  	s2 =	srdreg.scid;
	s0 =	stileid.u32  }
0x3: {  	s13 =	rddreg [dreg:$0x1];
	s16 =	smul.u32 $0x9C0, s0  }
0x4: {  	s4 =	rddreg [dreg:$0x2];
	s3 =	simm.s32 $0x0;
	s17 =	smul.u32 $0x9C, s0  }
0x5: {  	s14 =	sand.u32 $0x1, s2;
	s2 =	rddreg [dreg:$0x3];
	s28 =	smul.u32 $0x4E000, s0  }
0x6: {  	s18 =	sshll.u32 s0, $0x1;
	[smem:$0x7FF] =	sst s3;
	s26 =	smul.u32 $0x4E0, s14  }
0x7: {  	s15 =	sadd.s32 $0x2E00, s4;
	s5 =	sor.u32 s14, s18;
	s30 =	smul.u32 $0x27000, s14  }
0x8: {  	p0 =	sgt.u32 s0, $0x1;
	s8 =	ssub.s32 $0x2, s14;
	s6 =	smul.u32 $0x2700, s5  }
0x9: {  	_ =	strace $0x80000047;
	s7 =	smul.u32 $0x300, s5;
	s19 =	sshrl.u32 s8, $0x1  }
0xa: {  	s11 =	smul.u32 $0x4E, s5;
	s21 =	sshll.u32 s5, $0x4;
	s22 =	sshll.u32 s5, $0xB  }
0xb: {  	s8 =	ssub.s32 s8, s19;
	s19 =	smul.u32 $0x4E, s14;
	s6 =	sand.u32 $0x7FC00, s6  }
0xc: {  	s7 =	sand.u32 $0x300, s7;
	s9 =	sadd.s32 $0x4C, s11;
	s8 =	smax.u32 s8, $0x1  }
0xd: {  	s11 =	sadd.s32 $0x4D, s11;
	s6 =	sor.u32 s7, s6;
	s7 =	sadd.s32 s22, s15  }
0xe: {  	s10 =	sshll.u32 s9, $0xB;
	s12 =	sshll.u32 s9, $0x4;
	s24 =	sshll.u32 s11, $0xB  }
0xf: {  	s18 =	sshll.u32 s11, $0x4;
	s17 =	sadd.s32 s19, s17;
	s19 =	simm.s32 $0x4100  }
0x10: {  	s22 =	simm.s32 $0x2;
	s20 =	sshrl.u32 s6, $0x3;
	s6 =	sadd.s32 s21, s13  }
0x11: {  	s7 =	sadd.s32 $0x4E0000, s7;
	s9 =	sadd.s32 s15, s10;
	s23 =	sadd.s32 s13, s12  }
0x12: {  	s11 =	sadd.s32 s15, s24;
	s25 =	sadd.s32 s13, s18;
	s29 =	sshll.u32 s17, $0xB  }
0x13: {  	s17 =	simm.s32 $0x80;
	s18 =	simm.s32 $0x100;
	s21 =	simm.s32 $0x3  }
0x14: {  	s24 =	simm.s32 $0x0;
	s4 =	sadd.s32 s13, s20;
	s6 =	sadd.s32 $0x9C00, s6  }
0x15: {  	s10 =	sadd.s32 $0x20, s23;
	s12 =	sadd.s32 $0x20, s25;
	s13 =	sadd.s32 s16, s13  }
0x16: {  	s31 =	sadd.s32 s29, s15;
	s15 =	sadd.s32 s28, s15;
	s16 =	simm.s32 $0x5  }
0x17: {  	s20 =	simm.s32 $0x1;
	s23 =	simm.s32 $0x4;
	s5 =	sadd.s32 $0x10, s4  }
0x18: {  	s13 =	sadd.s32 s26, s13;
	s14 =	sadd.s32 $0x800, s31;
	s15 =	sadd.s32 s30, s15  }
.LBB2_1:
0x19: {  	[tilespmem:s3], [sflag:$0x5] =	stream.linear.gather [hbm4b:s4+s3], $0x80, $0x38;
	[tilespmem:$0x8100] =	vst v63  }
0x1a: {  	_ =	swait.ge [sflag:s16], $0x80  }
0x1b: {  	[sflag:s16] =	ssyncset.done $0x0  }
0x1c: {  	[sflag:s16] =	ssyncadd.s32 $0xFFFFFF80  }
0x1d: {  	[tilespmem:s18], [sflag:$0x1] =	stream.indirect.gather [hbm4b:s1+s17], $0x80, s3, s17, $0xb8;
	[tilespmem:$0x8100] =	vst v63  }
0x1e: {  	_ = 	snop  }
0x1f: {  	[tilespmem:s17], [sflag:$0x5] =	stream.linear.gather [hbm4b:s5+s3], $0x80, $0x38;
	[tilespmem:$0x8100] =	vst v63  }
0x20: {  	_ =	swait.ge [sflag:s16], $0x80  }
0x21: {  	[sflag:s16] =	ssyncset.done $0x0  }
0x22: {  	[sflag:s16] =	ssyncadd.s32 $0xFFFFFF80  }
0x23: {  	[tilespmem:s19], [sflag:$0x2] =	stream.indirect.gather [hbm4b:s1+s17], $0x80, s17, s17, $0xb8;
	[tilespmem:$0x8100] =	vst v63  }
0x24: {  	_ =	swait.ge [sflag:s20], $0x4000  }
0x25: {  	[sflag:s20] =	ssyncset.done $0x0  }
0x26: {  	s25 =	sadd.s32 $0x0, s13;
	[sflag:s20] =	ssyncadd.s32 $0xFFFFC000  }
0x27: {  	[hbm4b:s15+s3] =	stream.linear.scatter [tilespmem:s18], [sflag:$0x3], $0x4000, $0x38;
	[tilespmem:$0x8100] =	vst v63  }
0x28: {  	s26 =	sadd.s32 $0x20, s25  }
0x29: {  	[tilespmem:s3], [sflag:$0x5] =	stream.linear.gather [hbm4b:s26+s3], $0x80, $0x38;
	[tilespmem:$0x8100] =	vst v63  }
0x2a: {  	_ =	swait.ge [sflag:s16], $0x80  }
0x2b: {  	[sflag:s16] =	ssyncset.done $0x0  }
0x2c: {  	[sflag:s16] =	ssyncadd.s32 $0xFFFFFF80  }
0x2d: {  	_ =	swait.ge [sflag:s21], $0x4000  }
0x2e: {  	[sflag:s21] =	ssyncset.done $0x0  }
0x2f: {  	[sflag:s21] =	ssyncadd.s32 $0xFFFFC000  }
0x30: {  	[tilespmem:s18], [sflag:$0x1] =	stream.indirect.gather [hbm4b:s1+s17], $0x80, s3, s17, $0xb8;
	[tilespmem:$0x8100] =	vst v63  }
0x31: {  	_ =	swait.ge [sflag:s22], $0x4000  }
0x32: {  	[sflag:s22] =	ssyncset.done $0x0  }
0x33: {  	[sflag:s22] =	ssyncadd.s32 $0xFFFFC000  }
0x34: {  	[hbm4b:s14+s3] =	stream.linear.scatter [tilespmem:s19], [sflag:$0x4], $0x4000, $0x38;
	[tilespmem:$0x8100] =	vst v63  }
0x35: {  	s25 =	sadd.s32 $0x30, s25  }
0x36: {  	[tilespmem:s17], [sflag:$0x5] =	stream.linear.gather [hbm4b:s25+s3], $0x80, $0x38;
	[tilespmem:$0x8100] =	vst v63  }
0x37: {  	_ =	swait.ge [sflag:s16], $0x80  }
0x38: {  	[sflag:s16] =	ssyncset.done $0x0  }
0x39: {  	[sflag:s16] =	ssyncadd.s32 $0xFFFFFF80  }
0x3a: {  	_ =	swait.ge [sflag:s23], $0x4000  }
0x3b: {  	s28 =	sadd.s32 $0x1000, s15;
	[sflag:s23] =	ssyncset.done $0x0  }
0x3c: {  	s26 =	sadd.s32 $0x1000, s14;
	s25 =	simm.s32 $0x20;
	[sflag:s23] =	ssyncadd.s32 $0xFFFFC000  }
.LBB2_2:
0x3d: {  	[tilespmem:s19], [sflag:$0x2] =	stream.indirect.gather [hbm4b:s1+s17], $0x80, s17, s17, $0xb8;
	[tilespmem:$0x8100] =	vst v63  }
0x3e: {  	s29 =	smov.u32 s25  }
0x3f: {  	p1 =	sne.s32 s25, $0x4A0;
	s25 =	sadd.s32 $0x20, s25;
	_ =	swait.ge [sflag:s20], $0x4000  }
0x40: {  	[sflag:s20] =	ssyncset.done $0x0  }
0x41: {  	s29 =	sadd.s32 s29, s13;
	[sflag:s20] =	ssyncadd.s32 $0xFFFFC000  }
0x42: {  	[hbm4b:s28+s3] =	stream.linear.scatter [tilespmem:s18], [sflag:$0x3], $0x4000, $0x38;
	[tilespmem:$0x8100] =	vst v63  }
0x43: {  	s30 =	sadd.s32 $0x20, s29  }
0x44: {  	[tilespmem:s3], [sflag:$0x5] =	stream.linear.gather [hbm4b:s30+s3], $0x80, $0x38;
	[tilespmem:$0x8100] =	vst v63  }
0x45: {  	_ =	swait.ge [sflag:s16], $0x80  }
0x46: {  	[sflag:s16] =	ssyncset.done $0x0  }
0x47: {  	[sflag:s16] =	ssyncadd.s32 $0xFFFFFF80  }
0x48: {  	_ =	swait.ge [sflag:s21], $0x4000  }
0x49: {  	[sflag:s21] =	ssyncset.done $0x0  }
0x4a: {  	[sflag:s21] =	ssyncadd.s32 $0xFFFFC000  }
0x4b: {  	[tilespmem:s18], [sflag:$0x1] =	stream.indirect.gather [hbm4b:s1+s17], $0x80, s3, s17, $0xb8;
	[tilespmem:$0x8100] =	vst v63  }
0x4c: {  	_ =	swait.ge [sflag:s22], $0x4000  }
0x4d: {  	[sflag:s22] =	ssyncset.done $0x0  }
0x4e: {  	[sflag:s22] =	ssyncadd.s32 $0xFFFFC000  }
0x4f: {  	[hbm4b:s26+s3] =	stream.linear.scatter [tilespmem:s19], [sflag:$0x4], $0x4000, $0x38;
	[tilespmem:$0x8100] =	vst v63  }
0x50: {  	s29 =	sadd.s32 $0x30, s29  }
0x51: {  	[tilespmem:s17], [sflag:$0x5] =	stream.linear.gather [hbm4b:s29+s3], $0x80, $0x38;
	[tilespmem:$0x8100] =	vst v63  }
0x52: {  	_ =	swait.ge [sflag:s16], $0x80  }
.Ltmp0:
0x53: {  	[sflag:s16] =	ssyncset.done $0x0;
	(pc) =	sbr.rel @p1 .LBB2_2-.Ltmp0, $4  }
0x54: {  	[sflag:s16] =	ssyncadd.s32 $0xFFFFFF80  }
0x55: {  	_ =	swait.ge [sflag:s23], $0x4000  }
0x56: {  	[sflag:s23] =	ssyncset.done $0x0  }
0x57: {  	s28 =	sadd.s32 $0x1000, s28;
	s26 =	sadd.s32 $0x1000, s26;
	[sflag:s23] =	ssyncadd.s32 $0xFFFFC000  }
0x58: {  	[tilespmem:s19], [sflag:$0x2] =	stream.indirect.gather [hbm4b:s1+s17], $0x80, s17, s17, $0xb8;
	[tilespmem:$0x8100] =	vst v63  }
0x59: {  	_ =	swait.ge [sflag:s20], $0x4000  }
0x5a: {  	[sflag:s20] =	ssyncset.done $0x0  }
0x5b: {  	[sflag:s20] =	ssyncadd.s32 $0xFFFFC000  }
0x5c: {  	[hbm4b:s9+s3] =	stream.linear.scatter [tilespmem:s18], [sflag:$0x3], $0x4000, $0x38;
	[tilespmem:$0x8100] =	vst v63  }
0x5d: {  	_ = 	snop  }
0x5e: {  	[tilespmem:s3], [sflag:$0x5] =	stream.linear.gather [hbm4b:s10+s3], $0x80, $0x38;
	[tilespmem:$0x8100] =	vst v63  }
0x5f: {  	_ =	swait.ge [sflag:s16], $0x80  }
0x60: {  	[sflag:s16] =	ssyncset.done $0x0  }
0x61: {  	[sflag:s16] =	ssyncadd.s32 $0xFFFFFF80  }
0x62: {  	_ =	swait.ge [sflag:s21], $0x4000  }
0x63: {  	[sflag:s21] =	ssyncset.done $0x0  }
0x64: {  	[sflag:s21] =	ssyncadd.s32 $0xFFFFC000  }
0x65: {  	_ =	swait.ge [sflag:s22], $0x4000  }
0x66: {  	[sflag:s22] =	ssyncset.done $0x0  }
0x67: {  	[sflag:s22] =	ssyncadd.s32 $0xFFFFC000  }
0x68: {  	[hbm4b:s11+s3] =	stream.linear.scatter [tilespmem:s19], [sflag:$0x4], $0x4000, $0x38;
	[tilespmem:$0x8100] =	vst v63  }
0x69: {  	_ = 	snop  }
0x6a: {  	[tilespmem:s17], [sflag:$0x5] =	stream.linear.gather [hbm4b:s12+s3], $0x80, $0x38;
	[tilespmem:$0x8100] =	vst v63  }
0x6b: {  	_ =	swait.ge [sflag:s16], $0x80  }
0x6c: {  	[sflag:s16] =	ssyncset.done $0x0  }
0x6d: {  	[sflag:s16] =	ssyncadd.s32 $0xFFFFFF80  }
0x6e: {  	_ =	swait.ge [sflag:s23], $0x4000  }
0x6f: {  	[sflag:s23] =	ssyncset.done $0x0  }
0x70: {  	s25 =	simm.s32 @!p0 $0x0;
	s26 =	simm.s32 @!p0 $0x5;
	[sflag:s23] =	ssyncadd.s32 $0xFFFFC000  }
0x71: {  	[tilespmem:s25], [sflag:$0x5] =	stream.linear.gather @!p0 [hbm4b:s6+s25], $0x80, $0x38;
	[tilespmem:$0x8100] =	vst v63  }
0x72: {  	_ =	swait.ge @!p0 [sflag:s26], $0x80  }
0x73: {  	[sflag:s26] =	ssyncset.done @!p0 $0x0  }
0x74: {  	s28 =	simm.s32 @!p0 $0x80;
	s29 =	simm.s32 @!p0 $0x100;
	[sflag:s26] =	ssyncadd.s32 @!p0 $0xFFFFFF80  }
0x75: {  	[tilespmem:s29], [sflag:$0x1] =	stream.indirect.gather @!p0 [hbm4b:s1+s28], $0x80, s25, s28, $0xb8;
	[tilespmem:$0x8100] =	vst v63  }
0x76: {  	s28 =	simm.s32 @!p0 $0x1  }
0x77: {  	s24 =	sadd.s32 $0x1, s24;
	_ =	swait.ge @!p0 [sflag:s28], $0x4000  }
0x78: {  	p1 =	sne.s32 s24, s8;
	[sflag:s28] =	ssyncset.done @!p0 $0x0  }
.Ltmp1:
0x79: {  	[sflag:s28] =	ssyncadd.s32 @!p0 $0xFFFFC000;
	(pc) =	sbr.rel @p1 .LBB2_1-.Ltmp1, $4  }
0x7a: {  	[hbm4b:s7+s25] =	stream.linear.scatter @!p0 [tilespmem:s29], [sflag:$0x5], $0x4000, $0x38;
	[tilespmem:$0x8100] =	vst v63  }
0x7b: {  	_ =	swait.ge @!p0 [sflag:s26], $0x4000  }
0x7c: {  	[sflag:s26] =	ssyncset.done @!p0 $0x0  }
0x7d: {  	[sflag:s26] =	ssyncadd.s32 @!p0 $0xFFFFC000  }
0x7e: {  	_ =	sfence.sel $0x180000  }
0x7f: {  	[bflag:$0x0] =	sbarrier.arrive $0xFFFF  }
0x80: {  	p0 =	sne.s32 s0, $0x0;
	_ =	strace $0x90000047  }
0x81: {  	s0 =	sadd.s32 @!p0 $0x100000, s2;
	[bflag:$0x2] =	sbarrier.arrive $0xFFFF  }
0x82: {  	[sflag:s0] =	ssyncadd.tile.s32 @!p0 $0x1;
	_ =	shalt  }
.Lfunc_end2:
_tile_overlayer_lowered:
.L_overlay_start_2:
0x83: {  	(tag) =	ssettag $0x2  }
0x84: {  	s0 =	rddreg [dreg:$0x0];
	s2 =	stileid.u32  }
0x85: {  	s1 =	rddreg [dreg:$0x1];
	p0 =	sne.s32 s2, $0x0  }
0x86: {  	s3 =	rddreg [dreg:$0x2];
	[bflag:$0x3] =	sbarrier.arrive $0xFFFF;
	s2 =	simm.s32 @!p0 $0x1C05  }
0x87: {  	[timem:s3], [sflag:s2] =	dma.local @!p0 [hbm:s0], s1  }
0x88: {  	s0 =	simm.s32 @!p0 $0x5  }
0x89: {  	_ =	swait.ge @!p0 [sflag:s0], s1  }
0x8a: {  	s1 =	ssub.s32 @!p0 $0x0, s1;
	[sflag:s0] =	ssyncset.done @!p0 $0x0  }
0x8b: {  	[sflag:s0] =	ssyncadd.s32 @!p0 s1  }
0x8c: {  	[bflag:$0x3] =	sbarrier.arrive $0xFFFF  }
0x8d: {  	_ =	shalt  }

</sc_bundles>
